<compile_context>
chip_gen: v7x
topology: tpu7x:2x2x1
jax: 0.10.2.dev20260603
libtpu: 0.0.44.dev20260713+nightly
codegen_flags: <defaults>
</compile_context>

<pallas_src>
import functools
import math

import jax
import jax.numpy as jnp
from jax import lax
from jax.experimental import pallas as pl
from jax.experimental.pallas import tpu as pltpu
from jax.experimental.pallas import tpu_sc as plsc

_D_MODEL = 64
_SCALE = math.sqrt(_D_MODEL)
_LANES = 16


@functools.lru_cache(maxsize=None)
def _build(n_rows: int, d: int, chunk: int):
    info = plsc.get_sparse_core_info()
    nw = info.num_cores * info.num_subcores
    assert n_rows % (nw * chunk) == 0
    b_per_w = n_rows // nw
    n_chunks = b_per_w // chunk
    assert n_chunks % 2 == 0 and n_chunks >= 4
    mesh = plsc.VectorSubcoreMesh(core_axis_name="c", subcore_axis_name="s")

    @functools.partial(
        pl.kernel,
        out_type=jax.ShapeDtypeStruct((n_rows, 2 * d), jnp.float32),
        mesh=mesh,
        scratch_types=[
            pltpu.VMEM((chunk,), jnp.int32),
            pltpu.VMEM((chunk,), jnp.int32),
            pltpu.VMEM((chunk, d), jnp.float32),
            pltpu.VMEM((chunk, d), jnp.float32),
            pltpu.VMEM((chunk, 2 * d), jnp.float32),
            pltpu.SemaphoreType.DMA,
            pltpu.SemaphoreType.DMA,
        ],
        compiler_params=pltpu.CompilerParams(use_tc_tiling_on_sc=False),
    )
    def emb_kernel(idx_hbm, table_hbm, out_hbm, idx0, idx1, rows0, rows1,
                   cv0, sem0, sem1):
        wid = lax.axis_index("s") * info.num_cores + lax.axis_index("c")
        base = wid * b_per_w
        idxs = (idx0, idx1)
        rowss = (rows0, rows1)
        cvs = (cv0, cv0)
        sems = (sem0, sem1)

        def start_gather(ci, b):
            off = base + ci * chunk
            pltpu.sync_copy(idx_hbm.at[pl.ds(off, chunk)], idxs[b])
            pltpu.async_copy(table_hbm.at[idxs[b]], rowss[b], sems[b])

        def finish(ci, b):
            pltpu.make_async_copy(table_hbm.at[idxs[b]], rowss[b],
                                  sems[b]).wait()
            rv = rowss[b]
            cv = cvs[b]

            @plsc.parallel_loop(0, chunk, unroll=8)
            def row_body(r):
                for j in range(d // _LANES):
                    s = pl.ds(j * _LANES, _LANES)
                    cv[r, s] = rv[r, s] * _SCALE
            off = base + ci * chunk
            pltpu.sync_copy(cv, out_hbm.at[pl.ds(off, chunk)])

        start_gather(0, 0)

        def pair_body(i, carry):
            g = 2 * i
            start_gather(g + 1, 1)
            finish(g, 0)
            start_gather(g + 2, 0)
            finish(g + 1, 1)
            return carry

        lax.fori_loop(0, n_chunks // 2 - 1, pair_body, 0)
        g = n_chunks - 2
        start_gather(g + 1, 1)
        finish(g, 0)
        finish(g + 1, 1)

    return emb_kernel


def kernel(x, table):
    b, s = x.shape
    d = table.shape[1]
    n_rows = b * s
    flat_idx = x.reshape(n_rows)
    out = _build(n_rows, d, 400)(flat_idx, table)
    return out[:, :d].reshape(b, s, d)

# --- scband reference (transcript-rebuilt; emitter-appended) ---
"""Pipeline reference for scband-token-embedding-17961553232310 (READ-ONLY COPY).

The authoritative reference and input builder live on the scoring server;
editing this copy changes nothing except your own understanding.
"""

import jax, jax.numpy as jnp
import numpy as np
import math

D_VOCAB = 1000000
D_MODEL = 64

def setup_inputs(seed: int = 0) -> dict:
    key = jax.random.key(seed)
    k1, k2 = jax.random.split(key)
    x = jax.random.randint(k1, (4096, 200), 0, D_VOCAB, dtype=jnp.int64 if jax.config.jax_enable_x64 else jnp.int32)
    table = jax.random.normal(k2, (D_VOCAB, D_MODEL), dtype=jnp.float32)
    return {"x": x, "table": table}

def reference(x, table):
    y = jnp.take(table, x, axis=0) * math.sqrt(D_MODEL)
    return y

if __name__ == "__main__":
    import jax
    _d = setup_inputs()
    print(jax.jit(kernel)(*tuple(_d.values())))

</pallas_src>

<mosaic_0001>
#map = affine_map<(d0, d1) -> (0)>
#map1 = affine_map<(d0, d1) -> (0, 0)>
module attributes {stable_mosaic.version = 14 : i64} {
  func.func @emb_kernel(%arg0: i32, %arg1: i32, %arg2: memref<819200xi32, #tpu.memory_space<hbm>>, %arg3: memref<1000000x64xf32, #tpu.memory_space<hbm>>, %arg4: memref<819200x128xf32, #tpu.memory_space<hbm>>, %arg5: memref<400xi32, #tpu.memory_space<vmem>>, %arg6: memref<400xi32, #tpu.memory_space<vmem>>, %arg7: memref<400x64xf32, #tpu.memory_space<vmem>>, %arg8: memref<400x64xf32, #tpu.memory_space<vmem>>, %arg9: memref<400x128xf32, #tpu.memory_space<vmem>>, %arg10: memref<!tpu.dma_semaphore, #tpu.memory_space<semaphore_mem>>, %arg11: memref<!tpu.dma_semaphore, #tpu.memory_space<semaphore_mem>>) attributes {dimension_semantics = [#tpu.dimension_semantics<core_parallel>, #tpu.dimension_semantics<subcore_parallel>], iteration_bounds = array<i64: 2, 16>, scalar_prefetch = 0 : i64, scratch_operands = 7 : i64, tpu.core_type = #tpu.core_type<sc_vector_subcore>, window_params = [{transform_indices = #map}, {transform_indices = #map1}, {transform_indices = #map1}]} {
    %mul3A = arith.constant 2 : i32
    %mul3A_0 = arith.muli %arg1, %mul3A : i32
    %add3A = arith.addi %mul3A_0, %arg0 : i32
    %mul3A_1 = arith.constant 25600 : i32
    %mul3A_2 = arith.muli %add3A, %mul3A_1 : i32
    %add3A_3 = arith.constant 0 : i32
    %add3A_4 = arith.addi %mul3A_2, %add3A_3 : i32
    "tpu.region"() ({
      %run_scoped3A = tpu.sem_alloc : memref<!tpu.dma_semaphore, #tpu.memory_space<semaphore_mem>>
      %dma_start3A_31 = tpu.memref_slice %arg2[%add3A_4] : memref<819200xi32, #tpu.memory_space<hbm>> -> memref<400xi32, #tpu.memory_space<hbm>>
      %dma_start3A_32 = tpu.memref_slice %arg2[%add3A_4] : memref<819200xi32, #tpu.memory_space<hbm>> -> memref<400xi32, #tpu.memory_space<hbm>>
      tpu.enqueue_dma source(%dma_start3A_32 : memref<400xi32, #tpu.memory_space<hbm>>) target(%arg5 : memref<400xi32, #tpu.memory_space<vmem>>) target_semaphore(%run_scoped3A : memref<!tpu.dma_semaphore, #tpu.memory_space<semaphore_mem>>)
      %dma_wait3A_33 = tpu.memref_slice %arg2[%add3A_4] : memref<819200xi32, #tpu.memory_space<hbm>> -> memref<400xi32, #tpu.memory_space<hbm>>
      %dma_wait3A_34 = tpu.memref_slice %arg2[%add3A_4] : memref<819200xi32, #tpu.memory_space<hbm>> -> memref<400xi32, #tpu.memory_space<hbm>>
      tpu.wait_dma2 semaphore(%run_scoped3A : memref<!tpu.dma_semaphore, #tpu.memory_space<semaphore_mem>>) src(%dma_wait3A_34 : memref<400xi32, #tpu.memory_space<hbm>>) dst(%arg5 : memref<400xi32, #tpu.memory_space<vmem>>)
      tpu.yield
    }) : () -> ()
    %dma_start3A = arith.constant 0 : i32
    %dma_start3A_5 = arith.constant 0 : i32
    %dma_start3A_6 = tpu.memref_slice %arg3[%dma_start3A, %dma_start3A_5] : memref<1000000x64xf32, #tpu.memory_space<hbm>> -> memref<1000000x64xf32, #tpu.memory_space<hbm>>
    tpu.enqueue_indirect_dma source(%dma_start3A_6 : memref<1000000x64xf32, #tpu.memory_space<hbm>>) target(%arg7 : memref<400x64xf32, #tpu.memory_space<vmem>>) offsets(%arg5 : memref<400xi32, #tpu.memory_space<vmem>>) semaphore(%arg10 : memref<!tpu.dma_semaphore, #tpu.memory_space<semaphore_mem>>)
    %scan3A = arith.constant 0 : i32
    %scan3A_7 = arith.constant 0 : i32
    %scan3A_8 = arith.constant 31 : i32
    %scan3A_9 = arith.addi %scan3A_7, %scan3A_8 : i32
    %scan3A_10 = arith.constant 1 : i32
    scf.for %scan3A_31 = %scan3A_7 to %scan3A_9 step %scan3A_10  : i32 {
      %mul3A_32 = arith.constant 2 : i32
      %mul3A_33 = arith.muli %mul3A_32, %scan3A_31 : i32
      %add3A_34 = arith.constant 1 : i32
      %add3A_35 = arith.addi %mul3A_33, %add3A_34 : i32
      %mul3A_36 = arith.constant 400 : i32
      %mul3A_37 = arith.muli %add3A_35, %mul3A_36 : i32
      %add3A_38 = arith.addi %mul3A_2, %mul3A_37 : i32
      "tpu.region"() ({
        %run_scoped3A = tpu.sem_alloc : memref<!tpu.dma_semaphore, #tpu.memory_space<semaphore_mem>>
        %dma_start3A_70 = tpu.memref_slice %arg2[%add3A_38] : memref<819200xi32, #tpu.memory_space<hbm>> -> memref<400xi32, #tpu.memory_space<hbm>>
        %dma_start3A_71 = tpu.memref_slice %arg2[%add3A_38] : memref<819200xi32, #tpu.memory_space<hbm>> -> memref<400xi32, #tpu.memory_space<hbm>>
        tpu.enqueue_dma source(%dma_start3A_71 : memref<400xi32, #tpu.memory_space<hbm>>) target(%arg6 : memref<400xi32, #tpu.memory_space<vmem>>) target_semaphore(%run_scoped3A : memref<!tpu.dma_semaphore, #tpu.memory_space<semaphore_mem>>)
        %dma_wait3A_72 = tpu.memref_slice %arg2[%add3A_38] : memref<819200xi32, #tpu.memory_space<hbm>> -> memref<400xi32, #tpu.memory_space<hbm>>
        %dma_wait3A_73 = tpu.memref_slice %arg2[%add3A_38] : memref<819200xi32, #tpu.memory_space<hbm>> -> memref<400xi32, #tpu.memory_space<hbm>>
        tpu.wait_dma2 semaphore(%run_scoped3A : memref<!tpu.dma_semaphore, #tpu.memory_space<semaphore_mem>>) src(%dma_wait3A_73 : memref<400xi32, #tpu.memory_space<hbm>>) dst(%arg6 : memref<400xi32, #tpu.memory_space<vmem>>)
        tpu.yield
      }) : () -> ()
      %dma_start3A_39 = arith.constant 0 : i32
      %dma_start3A_40 = arith.constant 0 : i32
      %dma_start3A_41 = tpu.memref_slice %arg3[%dma_start3A_39, %dma_start3A_40] : memref<1000000x64xf32, #tpu.memory_space<hbm>> -> memref<1000000x64xf32, #tpu.memory_space<hbm>>
      tpu.enqueue_indirect_dma source(%dma_start3A_41 : memref<1000000x64xf32, #tpu.memory_space<hbm>>) target(%arg8 : memref<400x64xf32, #tpu.memory_space<vmem>>) offsets(%arg6 : memref<400xi32, #tpu.memory_space<vmem>>) semaphore(%arg11 : memref<!tpu.dma_semaphore, #tpu.memory_space<semaphore_mem>>)
      %dma_wait3A_42 = arith.constant 0 : i32
      %dma_wait3A_43 = arith.constant 0 : i32
      %dma_wait3A_44 = tpu.memref_slice %arg3[%dma_wait3A_42, %dma_wait3A_43] : memref<1000000x64xf32, #tpu.memory_space<hbm>> -> memref<1000000x64xf32, #tpu.memory_space<hbm>>
      tpu.wait_indirect_dma semaphore(%arg10 : memref<!tpu.dma_semaphore, #tpu.memory_space<semaphore_mem>>) src(%dma_wait3A_44 : memref<1000000x64xf32, #tpu.memory_space<hbm>>) dst(%arg7 : memref<400x64xf32, #tpu.memory_space<vmem>>)
      %parallel_loop3A_45 = arith.constant 0 : i32
      %parallel_loop3A_46 = arith.constant 400 : i32
      %parallel_loop3A_47 = arith.constant 1 : i32
      scf.for %parallel_loop3A_70 = %parallel_loop3A_45 to %parallel_loop3A_46 step %parallel_loop3A_47  : i32 {
        %parallel_loop3A_71 = arith.index_cast %parallel_loop3A_70 : i32 to index
        %parallel_loop3A_72 = arith.constant 0 : index
        %parallel_loop3A_73 = tpu.vector_load %arg7[%parallel_loop3A_71, %parallel_loop3A_72] {strides = array<i32>} : memref<400x64xf32, #tpu.memory_space<vmem>>, vector<1x16xf32>,
        %parallel_loop3A_74 = vector.shape_cast %parallel_loop3A_73 : vector<1x16xf32> to vector<16xf32>
        %parallel_loop3A_75 = arith.constant 8.000000e+00 : f32
        %parallel_loop3A_76 = vector.broadcast %parallel_loop3A_75 : f32 to vector<16xf32>
        %parallel_loop3A_77 = arith.mulf %parallel_loop3A_74, %parallel_loop3A_76 : vector<16xf32>
        %parallel_loop3A_78 = arith.index_cast %parallel_loop3A_70 : i32 to index
        %parallel_loop3A_79 = arith.constant 0 : index
        %parallel_loop3A_80 = tpu.vector_load %arg9[%parallel_loop3A_78, %parallel_loop3A_79] {strides = array<i32>} : memref<400x128xf32, #tpu.memory_space<vmem>>, vector<1x16xf32>,
        %parallel_loop3A_81 = vector.shape_cast %parallel_loop3A_80 : vector<1x16xf32> to vector<16xf32>
        %parallel_loop3A_82 = vector.shape_cast %parallel_loop3A_77 : vector<16xf32> to vector<1x16xf32>
        tpu.vector_store %arg9[%parallel_loop3A_78, %parallel_loop3A_79], %parallel_loop3A_82 {strides = array<i32>} : memref<400x128xf32, #tpu.memory_space<vmem>>, vector<1x16xf32>,
        %parallel_loop3A_83 = arith.index_cast %parallel_loop3A_70 : i32 to index
        %parallel_loop3A_84 = arith.constant 16 : index
        %parallel_loop3A_85 = tpu.vector_load %arg7[%parallel_loop3A_83, %parallel_loop3A_84] {strides = array<i32>} : memref<400x64xf32, #tpu.memory_space<vmem>>, vector<1x16xf32>,
        %parallel_loop3A_86 = vector.shape_cast %parallel_loop3A_85 : vector<1x16xf32> to vector<16xf32>
        %parallel_loop3A_87 = arith.constant 8.000000e+00 : f32
        %parallel_loop3A_88 = vector.broadcast %parallel_loop3A_87 : f32 to vector<16xf32>
        %parallel_loop3A_89 = arith.mulf %parallel_loop3A_86, %parallel_loop3A_88 : vector<16xf32>
        %parallel_loop3A_90 = arith.index_cast %parallel_loop3A_70 : i32 to index
        %parallel_loop3A_91 = arith.constant 16 : index
        %parallel_loop3A_92 = tpu.vector_load %arg9[%parallel_loop3A_90, %parallel_loop3A_91] {strides = array<i32>} : memref<400x128xf32, #tpu.memory_space<vmem>>, vector<1x16xf32>,
        %parallel_loop3A_93 = vector.shape_cast %parallel_loop3A_92 : vector<1x16xf32> to vector<16xf32>
        %parallel_loop3A_94 = vector.shape_cast %parallel_loop3A_89 : vector<16xf32> to vector<1x16xf32>
        tpu.vector_store %arg9[%parallel_loop3A_90, %parallel_loop3A_91], %parallel_loop3A_94 {strides = array<i32>} : memref<400x128xf32, #tpu.memory_space<vmem>>, vector<1x16xf32>,
        %parallel_loop3A_95 = arith.index_cast %parallel_loop3A_70 : i32 to index
        %parallel_loop3A_96 = arith.constant 32 : index
        %parallel_loop3A_97 = tpu.vector_load %arg7[%parallel_loop3A_95, %parallel_loop3A_96] {strides = array<i32>} : memref<400x64xf32, #tpu.memory_space<vmem>>, vector<1x16xf32>,
        %parallel_loop3A_98 = vector.shape_cast %parallel_loop3A_97 : vector<1x16xf32> to vector<16xf32>
        %parallel_loop3A_99 = arith.constant 8.000000e+00 : f32
        %parallel_loop3A_100 = vector.broadcast %parallel_loop3A_99 : f32 to vector<16xf32>
        %parallel_loop3A_101 = arith.mulf %parallel_loop3A_98, %parallel_loop3A_100 : vector<16xf32>
        %parallel_loop3A_102 = arith.index_cast %parallel_loop3A_70 : i32 to index
        %parallel_loop3A_103 = arith.constant 32 : index
        %parallel_loop3A_104 = tpu.vector_load %arg9[%parallel_loop3A_102, %parallel_loop3A_103] {strides = array<i32>} : memref<400x128xf32, #tpu.memory_space<vmem>>, vector<1x16xf32>,
        %parallel_loop3A_105 = vector.shape_cast %parallel_loop3A_104 : vector<1x16xf32> to vector<16xf32>
        %parallel_loop3A_106 = vector.shape_cast %parallel_loop3A_101 : vector<16xf32> to vector<1x16xf32>
        tpu.vector_store %arg9[%parallel_loop3A_102, %parallel_loop3A_103], %parallel_loop3A_106 {strides = array<i32>} : memref<400x128xf32, #tpu.memory_space<vmem>>, vector<1x16xf32>,
        %parallel_loop3A_107 = arith.index_cast %parallel_loop3A_70 : i32 to index
        %parallel_loop3A_108 = arith.constant 48 : index
        %parallel_loop3A_109 = tpu.vector_load %arg7[%parallel_loop3A_107, %parallel_loop3A_108] {strides = array<i32>} : memref<400x64xf32, #tpu.memory_space<vmem>>, vector<1x16xf32>,
        %parallel_loop3A_110 = vector.shape_cast %parallel_loop3A_109 : vector<1x16xf32> to vector<16xf32>
        %parallel_loop3A_111 = arith.constant 8.000000e+00 : f32
        %parallel_loop3A_112 = vector.broadcast %parallel_loop3A_111 : f32 to vector<16xf32>
        %parallel_loop3A_113 = arith.mulf %parallel_loop3A_110, %parallel_loop3A_112 : vector<16xf32>
        %parallel_loop3A_114 = arith.index_cast %parallel_loop3A_70 : i32 to index
        %parallel_loop3A_115 = arith.constant 48 : index
        %parallel_loop3A_116 = tpu.vector_load %arg9[%parallel_loop3A_114, %parallel_loop3A_115] {strides = array<i32>} : memref<400x128xf32, #tpu.memory_space<vmem>>, vector<1x16xf32>,
        %parallel_loop3A_117 = vector.shape_cast %parallel_loop3A_116 : vector<1x16xf32> to vector<16xf32>
        %parallel_loop3A_118 = vector.shape_cast %parallel_loop3A_113 : vector<16xf32> to vector<1x16xf32>
        tpu.vector_store %arg9[%parallel_loop3A_114, %parallel_loop3A_115], %parallel_loop3A_118 {strides = array<i32>} : memref<400x128xf32, #tpu.memory_space<vmem>>, vector<1x16xf32>,
      } {sc.loop_unroll_factor = 8 : i64, sc.parallel_access}
      %mul3A_48 = arith.constant 400 : i32
      %mul3A_49 = arith.muli %mul3A_33, %mul3A_48 : i32
      %add3A_50 = arith.addi %mul3A_2, %mul3A_49 : i32
      "tpu.region"() ({
        %run_scoped3A = tpu.sem_alloc : memref<!tpu.dma_semaphore, #tpu.memory_space<semaphore_mem>>
        %dma_start3A_70 = arith.constant 0 : i32
        %dma_start3A_71 = tpu.memref_slice %arg4[%add3A_50, %dma_start3A_70] : memref<819200x128xf32, #tpu.memory_space<hbm>> -> memref<400x128xf32, #tpu.memory_space<hbm>>
        %dma_start3A_72 = arith.constant 0 : i32
        %dma_start3A_73 = tpu.memref_slice %arg4[%add3A_50, %dma_start3A_72] : memref<819200x128xf32, #tpu.memory_space<hbm>> -> memref<400x128xf32, #tpu.memory_space<hbm>>
        tpu.enqueue_dma source(%arg9 : memref<400x128xf32, #tpu.memory_space<vmem>>) target(%dma_start3A_73 : memref<400x128xf32, #tpu.memory_space<hbm>>) target_semaphore(%run_scoped3A : memref<!tpu.dma_semaphore, #tpu.memory_space<semaphore_mem>>)
        %dma_wait3A_74 = arith.constant 0 : i32
        %dma_wait3A_75 = tpu.memref_slice %arg4[%add3A_50, %dma_wait3A_74] : memref<819200x128xf32, #tpu.memory_space<hbm>> -> memref<400x128xf32, #tpu.memory_space<hbm>>
        %dma_wait3A_76 = arith.constant 0 : i32
        %dma_wait3A_77 = tpu.memref_slice %arg4[%add3A_50, %dma_wait3A_76] : memref<819200x128xf32, #tpu.memory_space<hbm>> -> memref<400x128xf32, #tpu.memory_space<hbm>>
        tpu.wait_dma2 semaphore(%run_scoped3A : memref<!tpu.dma_semaphore, #tpu.memory_space<semaphore_mem>>) src(%arg9 : memref<400x128xf32, #tpu.memory_space<vmem>>) dst(%dma_wait3A_77 : memref<400x128xf32, #tpu.memory_space<hbm>>)
        tpu.yield
      }) : () -> ()
      %add3A_51 = arith.constant 2 : i32
      %add3A_52 = arith.addi %mul3A_33, %add3A_51 : i32
      %mul3A_53 = arith.constant 400 : i32
      %mul3A_54 = arith.muli %add3A_52, %mul3A_53 : i32
      %add3A_55 = arith.addi %mul3A_2, %mul3A_54 : i32
      "tpu.region"() ({
        %run_scoped3A = tpu.sem_alloc : memref<!tpu.dma_semaphore, #tpu.memory_space<semaphore_mem>>
        %dma_start3A_70 = tpu.memref_slice %arg2[%add3A_55] : memref<819200xi32, #tpu.memory_space<hbm>> -> memref<400xi32, #tpu.memory_space<hbm>>
        %dma_start3A_71 = tpu.memref_slice %arg2[%add3A_55] : memref<819200xi32, #tpu.memory_space<hbm>> -> memref<400xi32, #tpu.memory_space<hbm>>
        tpu.enqueue_dma source(%dma_start3A_71 : memref<400xi32, #tpu.memory_space<hbm>>) target(%arg5 : memref<400xi32, #tpu.memory_space<vmem>>) target_semaphore(%run_scoped3A : memref<!tpu.dma_semaphore, #tpu.memory_space<semaphore_mem>>)
        %dma_wait3A_72 = tpu.memref_slice %arg2[%add3A_55] : memref<819200xi32, #tpu.memory_space<hbm>> -> memref<400xi32, #tpu.memory_space<hbm>>
        %dma_wait3A_73 = tpu.memref_slice %arg2[%add3A_55] : memref<819200xi32, #tpu.memory_space<hbm>> -> memref<400xi32, #tpu.memory_space<hbm>>
        tpu.wait_dma2 semaphore(%run_scoped3A : memref<!tpu.dma_semaphore, #tpu.memory_space<semaphore_mem>>) src(%dma_wait3A_73 : memref<400xi32, #tpu.memory_space<hbm>>) dst(%arg5 : memref<400xi32, #tpu.memory_space<vmem>>)
        tpu.yield
      }) : () -> ()
      %dma_start3A_56 = arith.constant 0 : i32
      %dma_start3A_57 = arith.constant 0 : i32
      %dma_start3A_58 = tpu.memref_slice %arg3[%dma_start3A_56, %dma_start3A_57] : memref<1000000x64xf32, #tpu.memory_space<hbm>> -> memref<1000000x64xf32, #tpu.memory_space<hbm>>
      tpu.enqueue_indirect_dma source(%dma_start3A_58 : memref<1000000x64xf32, #tpu.memory_space<hbm>>) target(%arg7 : memref<400x64xf32, #tpu.memory_space<vmem>>) offsets(%arg5 : memref<400xi32, #tpu.memory_space<vmem>>) semaphore(%arg10 : memref<!tpu.dma_semaphore, #tpu.memory_space<semaphore_mem>>)
      %add3A_59 = arith.constant 1 : i32
      %add3A_60 = arith.addi %mul3A_33, %add3A_59 : i32
      %dma_wait3A_61 = arith.constant 0 : i32
      %dma_wait3A_62 = arith.constant 0 : i32
      %dma_wait3A_63 = tpu.memref_slice %arg3[%dma_wait3A_61, %dma_wait3A_62] : memref<1000000x64xf32, #tpu.memory_space<hbm>> -> memref<1000000x64xf32, #tpu.memory_space<hbm>>
      tpu.wait_indirect_dma semaphore(%arg11 : memref<!tpu.dma_semaphore, #tpu.memory_space<semaphore_mem>>) src(%dma_wait3A_63 : memref<1000000x64xf32, #tpu.memory_space<hbm>>) dst(%arg8 : memref<400x64xf32, #tpu.memory_space<vmem>>)
      %parallel_loop3A_64 = arith.constant 0 : i32
      %parallel_loop3A_65 = arith.constant 400 : i32
      %parallel_loop3A_66 = arith.constant 1 : i32
      scf.for %parallel_loop3A_70 = %parallel_loop3A_64 to %parallel_loop3A_65 step %parallel_loop3A_66  : i32 {
        %parallel_loop3A_71 = arith.index_cast %parallel_loop3A_70 : i32 to index
        %parallel_loop3A_72 = arith.constant 0 : index
        %parallel_loop3A_73 = tpu.vector_load %arg8[%parallel_loop3A_71, %parallel_loop3A_72] {strides = array<i32>} : memref<400x64xf32, #tpu.memory_space<vmem>>, vector<1x16xf32>,
        %parallel_loop3A_74 = vector.shape_cast %parallel_loop3A_73 : vector<1x16xf32> to vector<16xf32>
        %parallel_loop3A_75 = arith.constant 8.000000e+00 : f32
        %parallel_loop3A_76 = vector.broadcast %parallel_loop3A_75 : f32 to vector<16xf32>
        %parallel_loop3A_77 = arith.mulf %parallel_loop3A_74, %parallel_loop3A_76 : vector<16xf32>
        %parallel_loop3A_78 = arith.index_cast %parallel_loop3A_70 : i32 to index
        %parallel_loop3A_79 = arith.constant 0 : index
        %parallel_loop3A_80 = tpu.vector_load %arg9[%parallel_loop3A_78, %parallel_loop3A_79] {strides = array<i32>} : memref<400x128xf32, #tpu.memory_space<vmem>>, vector<1x16xf32>,
        %parallel_loop3A_81 = vector.shape_cast %parallel_loop3A_80 : vector<1x16xf32> to vector<16xf32>
        %parallel_loop3A_82 = vector.shape_cast %parallel_loop3A_77 : vector<16xf32> to vector<1x16xf32>
        tpu.vector_store %arg9[%parallel_loop3A_78, %parallel_loop3A_79], %parallel_loop3A_82 {strides = array<i32>} : memref<400x128xf32, #tpu.memory_space<vmem>>, vector<1x16xf32>,
        %parallel_loop3A_83 = arith.index_cast %parallel_loop3A_70 : i32 to index
        %parallel_loop3A_84 = arith.constant 16 : index
        %parallel_loop3A_85 = tpu.vector_load %arg8[%parallel_loop3A_83, %parallel_loop3A_84] {strides = array<i32>} : memref<400x64xf32, #tpu.memory_space<vmem>>, vector<1x16xf32>,
        %parallel_loop3A_86 = vector.shape_cast %parallel_loop3A_85 : vector<1x16xf32> to vector<16xf32>
        %parallel_loop3A_87 = arith.constant 8.000000e+00 : f32
        %parallel_loop3A_88 = vector.broadcast %parallel_loop3A_87 : f32 to vector<16xf32>
        %parallel_loop3A_89 = arith.mulf %parallel_loop3A_86, %parallel_loop3A_88 : vector<16xf32>
        %parallel_loop3A_90 = arith.index_cast %parallel_loop3A_70 : i32 to index
        %parallel_loop3A_91 = arith.constant 16 : index
        %parallel_loop3A_92 = tpu.vector_load %arg9[%parallel_loop3A_90, %parallel_loop3A_91] {strides = array<i32>} : memref<400x128xf32, #tpu.memory_space<vmem>>, vector<1x16xf32>,
        %parallel_loop3A_93 = vector.shape_cast %parallel_loop3A_92 : vector<1x16xf32> to vector<16xf32>
        %parallel_loop3A_94 = vector.shape_cast %parallel_loop3A_89 : vector<16xf32> to vector<1x16xf32>
        tpu.vector_store %arg9[%parallel_loop3A_90, %parallel_loop3A_91], %parallel_loop3A_94 {strides = array<i32>} : memref<400x128xf32, #tpu.memory_space<vmem>>, vector<1x16xf32>,
        %parallel_loop3A_95 = arith.index_cast %parallel_loop3A_70 : i32 to index
        %parallel_loop3A_96 = arith.constant 32 : index
        %parallel_loop3A_97 = tpu.vector_load %arg8[%parallel_loop3A_95, %parallel_loop3A_96] {strides = array<i32>} : memref<400x64xf32, #tpu.memory_space<vmem>>, vector<1x16xf32>,
        %parallel_loop3A_98 = vector.shape_cast %parallel_loop3A_97 : vector<1x16xf32> to vector<16xf32>
        %parallel_loop3A_99 = arith.constant 8.000000e+00 : f32
        %parallel_loop3A_100 = vector.broadcast %parallel_loop3A_99 : f32 to vector<16xf32>
        %parallel_loop3A_101 = arith.mulf %parallel_loop3A_98, %parallel_loop3A_100 : vector<16xf32>
        %parallel_loop3A_102 = arith.index_cast %parallel_loop3A_70 : i32 to index
        %parallel_loop3A_103 = arith.constant 32 : index
        %parallel_loop3A_104 = tpu.vector_load %arg9[%parallel_loop3A_102, %parallel_loop3A_103] {strides = array<i32>} : memref<400x128xf32, #tpu.memory_space<vmem>>, vector<1x16xf32>,
        %parallel_loop3A_105 = vector.shape_cast %parallel_loop3A_104 : vector<1x16xf32> to vector<16xf32>
        %parallel_loop3A_106 = vector.shape_cast %parallel_loop3A_101 : vector<16xf32> to vector<1x16xf32>
        tpu.vector_store %arg9[%parallel_loop3A_102, %parallel_loop3A_103], %parallel_loop3A_106 {strides = array<i32>} : memref<400x128xf32, #tpu.memory_space<vmem>>, vector<1x16xf32>,
        %parallel_loop3A_107 = arith.index_cast %parallel_loop3A_70 : i32 to index
        %parallel_loop3A_108 = arith.constant 48 : index
        %parallel_loop3A_109 = tpu.vector_load %arg8[%parallel_loop3A_107, %parallel_loop3A_108] {strides = array<i32>} : memref<400x64xf32, #tpu.memory_space<vmem>>, vector<1x16xf32>,
        %parallel_loop3A_110 = vector.shape_cast %parallel_loop3A_109 : vector<1x16xf32> to vector<16xf32>
        %parallel_loop3A_111 = arith.constant 8.000000e+00 : f32
        %parallel_loop3A_112 = vector.broadcast %parallel_loop3A_111 : f32 to vector<16xf32>
        %parallel_loop3A_113 = arith.mulf %parallel_loop3A_110, %parallel_loop3A_112 : vector<16xf32>
        %parallel_loop3A_114 = arith.index_cast %parallel_loop3A_70 : i32 to index
        %parallel_loop3A_115 = arith.constant 48 : index
        %parallel_loop3A_116 = tpu.vector_load %arg9[%parallel_loop3A_114, %parallel_loop3A_115] {strides = array<i32>} : memref<400x128xf32, #tpu.memory_space<vmem>>, vector<1x16xf32>,
        %parallel_loop3A_117 = vector.shape_cast %parallel_loop3A_116 : vector<1x16xf32> to vector<16xf32>
        %parallel_loop3A_118 = vector.shape_cast %parallel_loop3A_113 : vector<16xf32> to vector<1x16xf32>
        tpu.vector_store %arg9[%parallel_loop3A_114, %parallel_loop3A_115], %parallel_loop3A_118 {strides = array<i32>} : memref<400x128xf32, #tpu.memory_space<vmem>>, vector<1x16xf32>,
      } {sc.loop_unroll_factor = 8 : i64, sc.parallel_access}
      %mul3A_67 = arith.constant 400 : i32
      %mul3A_68 = arith.muli %add3A_60, %mul3A_67 : i32
      %add3A_69 = arith.addi %mul3A_2, %mul3A_68 : i32
      "tpu.region"() ({
        %run_scoped3A = tpu.sem_alloc : memref<!tpu.dma_semaphore, #tpu.memory_space<semaphore_mem>>
        %dma_start3A_70 = arith.constant 0 : i32
        %dma_start3A_71 = tpu.memref_slice %arg4[%add3A_69, %dma_start3A_70] : memref<819200x128xf32, #tpu.memory_space<hbm>> -> memref<400x128xf32, #tpu.memory_space<hbm>>
        %dma_start3A_72 = arith.constant 0 : i32
        %dma_start3A_73 = tpu.memref_slice %arg4[%add3A_69, %dma_start3A_72] : memref<819200x128xf32, #tpu.memory_space<hbm>> -> memref<400x128xf32, #tpu.memory_space<hbm>>
        tpu.enqueue_dma source(%arg9 : memref<400x128xf32, #tpu.memory_space<vmem>>) target(%dma_start3A_73 : memref<400x128xf32, #tpu.memory_space<hbm>>) target_semaphore(%run_scoped3A : memref<!tpu.dma_semaphore, #tpu.memory_space<semaphore_mem>>)
        %dma_wait3A_74 = arith.constant 0 : i32
        %dma_wait3A_75 = tpu.memref_slice %arg4[%add3A_69, %dma_wait3A_74] : memref<819200x128xf32, #tpu.memory_space<hbm>> -> memref<400x128xf32, #tpu.memory_space<hbm>>
        %dma_wait3A_76 = arith.constant 0 : i32
        %dma_wait3A_77 = tpu.memref_slice %arg4[%add3A_69, %dma_wait3A_76] : memref<819200x128xf32, #tpu.memory_space<hbm>> -> memref<400x128xf32, #tpu.memory_space<hbm>>
        tpu.wait_dma2 semaphore(%run_scoped3A : memref<!tpu.dma_semaphore, #tpu.memory_space<semaphore_mem>>) src(%arg9 : memref<400x128xf32, #tpu.memory_space<vmem>>) dst(%dma_wait3A_77 : memref<400x128xf32, #tpu.memory_space<hbm>>)
        tpu.yield
      }) : () -> ()
    }
    %scan3A_11 = arith.constant 31 : i32
    %add3A_12 = arith.constant 25200 : i32
    %add3A_13 = arith.addi %mul3A_2, %add3A_12 : i32
    "tpu.region"() ({
      %run_scoped3A = tpu.sem_alloc : memref<!tpu.dma_semaphore, #tpu.memory_space<semaphore_mem>>
      %dma_start3A_31 = tpu.memref_slice %arg2[%add3A_13] : memref<819200xi32, #tpu.memory_space<hbm>> -> memref<400xi32, #tpu.memory_space<hbm>>
      %dma_start3A_32 = tpu.memref_slice %arg2[%add3A_13] : memref<819200xi32, #tpu.memory_space<hbm>> -> memref<400xi32, #tpu.memory_space<hbm>>
      tpu.enqueue_dma source(%dma_start3A_32 : memref<400xi32, #tpu.memory_space<hbm>>) target(%arg6 : memref<400xi32, #tpu.memory_space<vmem>>) target_semaphore(%run_scoped3A : memref<!tpu.dma_semaphore, #tpu.memory_space<semaphore_mem>>)
      %dma_wait3A_33 = tpu.memref_slice %arg2[%add3A_13] : memref<819200xi32, #tpu.memory_space<hbm>> -> memref<400xi32, #tpu.memory_space<hbm>>
      %dma_wait3A_34 = tpu.memref_slice %arg2[%add3A_13] : memref<819200xi32, #tpu.memory_space<hbm>> -> memref<400xi32, #tpu.memory_space<hbm>>
      tpu.wait_dma2 semaphore(%run_scoped3A : memref<!tpu.dma_semaphore, #tpu.memory_space<semaphore_mem>>) src(%dma_wait3A_34 : memref<400xi32, #tpu.memory_space<hbm>>) dst(%arg6 : memref<400xi32, #tpu.memory_space<vmem>>)
      tpu.yield
    }) : () -> ()
    %dma_start3A_14 = arith.constant 0 : i32
    %dma_start3A_15 = arith.constant 0 : i32
    %dma_start3A_16 = tpu.memref_slice %arg3[%dma_start3A_14, %dma_start3A_15] : memref<1000000x64xf32, #tpu.memory_space<hbm>> -> memref<1000000x64xf32, #tpu.memory_space<hbm>>
    tpu.enqueue_indirect_dma source(%dma_start3A_16 : memref<1000000x64xf32, #tpu.memory_space<hbm>>) target(%arg8 : memref<400x64xf32, #tpu.memory_space<vmem>>) offsets(%arg6 : memref<400xi32, #tpu.memory_space<vmem>>) semaphore(%arg11 : memref<!tpu.dma_semaphore, #tpu.memory_space<semaphore_mem>>)
    %dma_wait3A = arith.constant 0 : i32
    %dma_wait3A_17 = arith.constant 0 : i32
    %dma_wait3A_18 = tpu.memref_slice %arg3[%dma_wait3A, %dma_wait3A_17] : memref<1000000x64xf32, #tpu.memory_space<hbm>> -> memref<1000000x64xf32, #tpu.memory_space<hbm>>
    tpu.wait_indirect_dma semaphore(%arg10 : memref<!tpu.dma_semaphore, #tpu.memory_space<semaphore_mem>>) src(%dma_wait3A_18 : memref<1000000x64xf32, #tpu.memory_space<hbm>>) dst(%arg7 : memref<400x64xf32, #tpu.memory_space<vmem>>)
    %parallel_loop3A = arith.constant 0 : i32
    %parallel_loop3A_19 = arith.constant 400 : i32
    %parallel_loop3A_20 = arith.constant 1 : i32
    scf.for %parallel_loop3A_31 = %parallel_loop3A to %parallel_loop3A_19 step %parallel_loop3A_20  : i32 {
      %parallel_loop3A_32 = arith.index_cast %parallel_loop3A_31 : i32 to index
      %parallel_loop3A_33 = arith.constant 0 : index
      %parallel_loop3A_34 = tpu.vector_load %arg7[%parallel_loop3A_32, %parallel_loop3A_33] {strides = array<i32>} : memref<400x64xf32, #tpu.memory_space<vmem>>, vector<1x16xf32>,
      %parallel_loop3A_35 = vector.shape_cast %parallel_loop3A_34 : vector<1x16xf32> to vector<16xf32>
      %parallel_loop3A_36 = arith.constant 8.000000e+00 : f32
      %parallel_loop3A_37 = vector.broadcast %parallel_loop3A_36 : f32 to vector<16xf32>
      %parallel_loop3A_38 = arith.mulf %parallel_loop3A_35, %parallel_loop3A_37 : vector<16xf32>
      %parallel_loop3A_39 = arith.index_cast %parallel_loop3A_31 : i32 to index
      %parallel_loop3A_40 = arith.constant 0 : index
      %parallel_loop3A_41 = tpu.vector_load %arg9[%parallel_loop3A_39, %parallel_loop3A_40] {strides = array<i32>} : memref<400x128xf32, #tpu.memory_space<vmem>>, vector<1x16xf32>,
      %parallel_loop3A_42 = vector.shape_cast %parallel_loop3A_41 : vector<1x16xf32> to vector<16xf32>
      %parallel_loop3A_43 = vector.shape_cast %parallel_loop3A_38 : vector<16xf32> to vector<1x16xf32>
      tpu.vector_store %arg9[%parallel_loop3A_39, %parallel_loop3A_40], %parallel_loop3A_43 {strides = array<i32>} : memref<400x128xf32, #tpu.memory_space<vmem>>, vector<1x16xf32>,
      %parallel_loop3A_44 = arith.index_cast %parallel_loop3A_31 : i32 to index
      %parallel_loop3A_45 = arith.constant 16 : index
      %parallel_loop3A_46 = tpu.vector_load %arg7[%parallel_loop3A_44, %parallel_loop3A_45] {strides = array<i32>} : memref<400x64xf32, #tpu.memory_space<vmem>>, vector<1x16xf32>,
      %parallel_loop3A_47 = vector.shape_cast %parallel_loop3A_46 : vector<1x16xf32> to vector<16xf32>
      %parallel_loop3A_48 = arith.constant 8.000000e+00 : f32
      %parallel_loop3A_49 = vector.broadcast %parallel_loop3A_48 : f32 to vector<16xf32>
      %parallel_loop3A_50 = arith.mulf %parallel_loop3A_47, %parallel_loop3A_49 : vector<16xf32>
      %parallel_loop3A_51 = arith.index_cast %parallel_loop3A_31 : i32 to index
      %parallel_loop3A_52 = arith.constant 16 : index
      %parallel_loop3A_53 = tpu.vector_load %arg9[%parallel_loop3A_51, %parallel_loop3A_52] {strides = array<i32>} : memref<400x128xf32, #tpu.memory_space<vmem>>, vector<1x16xf32>,
      %parallel_loop3A_54 = vector.shape_cast %parallel_loop3A_53 : vector<1x16xf32> to vector<16xf32>
      %parallel_loop3A_55 = vector.shape_cast %parallel_loop3A_50 : vector<16xf32> to vector<1x16xf32>
      tpu.vector_store %arg9[%parallel_loop3A_51, %parallel_loop3A_52], %parallel_loop3A_55 {strides = array<i32>} : memref<400x128xf32, #tpu.memory_space<vmem>>, vector<1x16xf32>,
      %parallel_loop3A_56 = arith.index_cast %parallel_loop3A_31 : i32 to index
      %parallel_loop3A_57 = arith.constant 32 : index
      %parallel_loop3A_58 = tpu.vector_load %arg7[%parallel_loop3A_56, %parallel_loop3A_57] {strides = array<i32>} : memref<400x64xf32, #tpu.memory_space<vmem>>, vector<1x16xf32>,
      %parallel_loop3A_59 = vector.shape_cast %parallel_loop3A_58 : vector<1x16xf32> to vector<16xf32>
      %parallel_loop3A_60 = arith.constant 8.000000e+00 : f32
      %parallel_loop3A_61 = vector.broadcast %parallel_loop3A_60 : f32 to vector<16xf32>
      %parallel_loop3A_62 = arith.mulf %parallel_loop3A_59, %parallel_loop3A_61 : vector<16xf32>
      %parallel_loop3A_63 = arith.index_cast %parallel_loop3A_31 : i32 to index
      %parallel_loop3A_64 = arith.constant 32 : index
      %parallel_loop3A_65 = tpu.vector_load %arg9[%parallel_loop3A_63, %parallel_loop3A_64] {strides = array<i32>} : memref<400x128xf32, #tpu.memory_space<vmem>>, vector<1x16xf32>,
      %parallel_loop3A_66 = vector.shape_cast %parallel_loop3A_65 : vector<1x16xf32> to vector<16xf32>
      %parallel_loop3A_67 = vector.shape_cast %parallel_loop3A_62 : vector<16xf32> to vector<1x16xf32>
      tpu.vector_store %arg9[%parallel_loop3A_63, %parallel_loop3A_64], %parallel_loop3A_67 {strides = array<i32>} : memref<400x128xf32, #tpu.memory_space<vmem>>, vector<1x16xf32>,
      %parallel_loop3A_68 = arith.index_cast %parallel_loop3A_31 : i32 to index
      %parallel_loop3A_69 = arith.constant 48 : index
      %parallel_loop3A_70 = tpu.vector_load %arg7[%parallel_loop3A_68, %parallel_loop3A_69] {strides = array<i32>} : memref<400x64xf32, #tpu.memory_space<vmem>>, vector<1x16xf32>,
      %parallel_loop3A_71 = vector.shape_cast %parallel_loop3A_70 : vector<1x16xf32> to vector<16xf32>
      %parallel_loop3A_72 = arith.constant 8.000000e+00 : f32
      %parallel_loop3A_73 = vector.broadcast %parallel_loop3A_72 : f32 to vector<16xf32>
      %parallel_loop3A_74 = arith.mulf %parallel_loop3A_71, %parallel_loop3A_73 : vector<16xf32>
      %parallel_loop3A_75 = arith.index_cast %parallel_loop3A_31 : i32 to index
      %parallel_loop3A_76 = arith.constant 48 : index
      %parallel_loop3A_77 = tpu.vector_load %arg9[%parallel_loop3A_75, %parallel_loop3A_76] {strides = array<i32>} : memref<400x128xf32, #tpu.memory_space<vmem>>, vector<1x16xf32>,
      %parallel_loop3A_78 = vector.shape_cast %parallel_loop3A_77 : vector<1x16xf32> to vector<16xf32>
      %parallel_loop3A_79 = vector.shape_cast %parallel_loop3A_74 : vector<16xf32> to vector<1x16xf32>
      tpu.vector_store %arg9[%parallel_loop3A_75, %parallel_loop3A_76], %parallel_loop3A_79 {strides = array<i32>} : memref<400x128xf32, #tpu.memory_space<vmem>>, vector<1x16xf32>,
    } {sc.loop_unroll_factor = 8 : i64, sc.parallel_access}
    %add3A_21 = arith.constant 24800 : i32
    %add3A_22 = arith.addi %mul3A_2, %add3A_21 : i32
    "tpu.region"() ({
      %run_scoped3A = tpu.sem_alloc : memref<!tpu.dma_semaphore, #tpu.memory_space<semaphore_mem>>
      %dma_start3A_31 = arith.constant 0 : i32
      %dma_start3A_32 = tpu.memref_slice %arg4[%add3A_22, %dma_start3A_31] : memref<819200x128xf32, #tpu.memory_space<hbm>> -> memref<400x128xf32, #tpu.memory_space<hbm>>
      %dma_start3A_33 = arith.constant 0 : i32
      %dma_start3A_34 = tpu.memref_slice %arg4[%add3A_22, %dma_start3A_33] : memref<819200x128xf32, #tpu.memory_space<hbm>> -> memref<400x128xf32, #tpu.memory_space<hbm>>
      tpu.enqueue_dma source(%arg9 : memref<400x128xf32, #tpu.memory_space<vmem>>) target(%dma_start3A_34 : memref<400x128xf32, #tpu.memory_space<hbm>>) target_semaphore(%run_scoped3A : memref<!tpu.dma_semaphore, #tpu.memory_space<semaphore_mem>>)
      %dma_wait3A_35 = arith.constant 0 : i32
      %dma_wait3A_36 = tpu.memref_slice %arg4[%add3A_22, %dma_wait3A_35] : memref<819200x128xf32, #tpu.memory_space<hbm>> -> memref<400x128xf32, #tpu.memory_space<hbm>>
      %dma_wait3A_37 = arith.constant 0 : i32
      %dma_wait3A_38 = tpu.memref_slice %arg4[%add3A_22, %dma_wait3A_37] : memref<819200x128xf32, #tpu.memory_space<hbm>> -> memref<400x128xf32, #tpu.memory_space<hbm>>
      tpu.wait_dma2 semaphore(%run_scoped3A : memref<!tpu.dma_semaphore, #tpu.memory_space<semaphore_mem>>) src(%arg9 : memref<400x128xf32, #tpu.memory_space<vmem>>) dst(%dma_wait3A_38 : memref<400x128xf32, #tpu.memory_space<hbm>>)
      tpu.yield
    }) : () -> ()
    %dma_wait3A_23 = arith.constant 0 : i32
    %dma_wait3A_24 = arith.constant 0 : i32
    %dma_wait3A_25 = tpu.memref_slice %arg3[%dma_wait3A_23, %dma_wait3A_24] : memref<1000000x64xf32, #tpu.memory_space<hbm>> -> memref<1000000x64xf32, #tpu.memory_space<hbm>>
    tpu.wait_indirect_dma semaphore(%arg11 : memref<!tpu.dma_semaphore, #tpu.memory_space<semaphore_mem>>) src(%dma_wait3A_25 : memref<1000000x64xf32, #tpu.memory_space<hbm>>) dst(%arg8 : memref<400x64xf32, #tpu.memory_space<vmem>>)
    %parallel_loop3A_26 = arith.constant 0 : i32
    %parallel_loop3A_27 = arith.constant 400 : i32
    %parallel_loop3A_28 = arith.constant 1 : i32
    scf.for %parallel_loop3A_31 = %parallel_loop3A_26 to %parallel_loop3A_27 step %parallel_loop3A_28  : i32 {
      %parallel_loop3A_32 = arith.index_cast %parallel_loop3A_31 : i32 to index
      %parallel_loop3A_33 = arith.constant 0 : index
      %parallel_loop3A_34 = tpu.vector_load %arg8[%parallel_loop3A_32, %parallel_loop3A_33] {strides = array<i32>} : memref<400x64xf32, #tpu.memory_space<vmem>>, vector<1x16xf32>,
      %parallel_loop3A_35 = vector.shape_cast %parallel_loop3A_34 : vector<1x16xf32> to vector<16xf32>
      %parallel_loop3A_36 = arith.constant 8.000000e+00 : f32
      %parallel_loop3A_37 = vector.broadcast %parallel_loop3A_36 : f32 to vector<16xf32>
      %parallel_loop3A_38 = arith.mulf %parallel_loop3A_35, %parallel_loop3A_37 : vector<16xf32>
      %parallel_loop3A_39 = arith.index_cast %parallel_loop3A_31 : i32 to index
      %parallel_loop3A_40 = arith.constant 0 : index
      %parallel_loop3A_41 = tpu.vector_load %arg9[%parallel_loop3A_39, %parallel_loop3A_40] {strides = array<i32>} : memref<400x128xf32, #tpu.memory_space<vmem>>, vector<1x16xf32>,
      %parallel_loop3A_42 = vector.shape_cast %parallel_loop3A_41 : vector<1x16xf32> to vector<16xf32>
      %parallel_loop3A_43 = vector.shape_cast %parallel_loop3A_38 : vector<16xf32> to vector<1x16xf32>
      tpu.vector_store %arg9[%parallel_loop3A_39, %parallel_loop3A_40], %parallel_loop3A_43 {strides = array<i32>} : memref<400x128xf32, #tpu.memory_space<vmem>>, vector<1x16xf32>,
      %parallel_loop3A_44 = arith.index_cast %parallel_loop3A_31 : i32 to index
      %parallel_loop3A_45 = arith.constant 16 : index
      %parallel_loop3A_46 = tpu.vector_load %arg8[%parallel_loop3A_44, %parallel_loop3A_45] {strides = array<i32>} : memref<400x64xf32, #tpu.memory_space<vmem>>, vector<1x16xf32>,
      %parallel_loop3A_47 = vector.shape_cast %parallel_loop3A_46 : vector<1x16xf32> to vector<16xf32>
      %parallel_loop3A_48 = arith.constant 8.000000e+00 : f32
      %parallel_loop3A_49 = vector.broadcast %parallel_loop3A_48 : f32 to vector<16xf32>
      %parallel_loop3A_50 = arith.mulf %parallel_loop3A_47, %parallel_loop3A_49 : vector<16xf32>
      %parallel_loop3A_51 = arith.index_cast %parallel_loop3A_31 : i32 to index
      %parallel_loop3A_52 = arith.constant 16 : index
      %parallel_loop3A_53 = tpu.vector_load %arg9[%parallel_loop3A_51, %parallel_loop3A_52] {strides = array<i32>} : memref<400x128xf32, #tpu.memory_space<vmem>>, vector<1x16xf32>,
      %parallel_loop3A_54 = vector.shape_cast %parallel_loop3A_53 : vector<1x16xf32> to vector<16xf32>
      %parallel_loop3A_55 = vector.shape_cast %parallel_loop3A_50 : vector<16xf32> to vector<1x16xf32>
      tpu.vector_store %arg9[%parallel_loop3A_51, %parallel_loop3A_52], %parallel_loop3A_55 {strides = array<i32>} : memref<400x128xf32, #tpu.memory_space<vmem>>, vector<1x16xf32>,
      %parallel_loop3A_56 = arith.index_cast %parallel_loop3A_31 : i32 to index
      %parallel_loop3A_57 = arith.constant 32 : index
      %parallel_loop3A_58 = tpu.vector_load %arg8[%parallel_loop3A_56, %parallel_loop3A_57] {strides = array<i32>} : memref<400x64xf32, #tpu.memory_space<vmem>>, vector<1x16xf32>,
      %parallel_loop3A_59 = vector.shape_cast %parallel_loop3A_58 : vector<1x16xf32> to vector<16xf32>
      %parallel_loop3A_60 = arith.constant 8.000000e+00 : f32
      %parallel_loop3A_61 = vector.broadcast %parallel_loop3A_60 : f32 to vector<16xf32>
      %parallel_loop3A_62 = arith.mulf %parallel_loop3A_59, %parallel_loop3A_61 : vector<16xf32>
      %parallel_loop3A_63 = arith.index_cast %parallel_loop3A_31 : i32 to index
      %parallel_loop3A_64 = arith.constant 32 : index
      %parallel_loop3A_65 = tpu.vector_load %arg9[%parallel_loop3A_63, %parallel_loop3A_64] {strides = array<i32>} : memref<400x128xf32, #tpu.memory_space<vmem>>, vector<1x16xf32>,
      %parallel_loop3A_66 = vector.shape_cast %parallel_loop3A_65 : vector<1x16xf32> to vector<16xf32>
      %parallel_loop3A_67 = vector.shape_cast %parallel_loop3A_62 : vector<16xf32> to vector<1x16xf32>
      tpu.vector_store %arg9[%parallel_loop3A_63, %parallel_loop3A_64], %parallel_loop3A_67 {strides = array<i32>} : memref<400x128xf32, #tpu.memory_space<vmem>>, vector<1x16xf32>,
      %parallel_loop3A_68 = arith.index_cast %parallel_loop3A_31 : i32 to index
      %parallel_loop3A_69 = arith.constant 48 : index
      %parallel_loop3A_70 = tpu.vector_load %arg8[%parallel_loop3A_68, %parallel_loop3A_69] {strides = array<i32>} : memref<400x64xf32, #tpu.memory_space<vmem>>, vector<1x16xf32>,
      %parallel_loop3A_71 = vector.shape_cast %parallel_loop3A_70 : vector<1x16xf32> to vector<16xf32>
      %parallel_loop3A_72 = arith.constant 8.000000e+00 : f32
      %parallel_loop3A_73 = vector.broadcast %parallel_loop3A_72 : f32 to vector<16xf32>
      %parallel_loop3A_74 = arith.mulf %parallel_loop3A_71, %parallel_loop3A_73 : vector<16xf32>
      %parallel_loop3A_75 = arith.index_cast %parallel_loop3A_31 : i32 to index
      %parallel_loop3A_76 = arith.constant 48 : index
      %parallel_loop3A_77 = tpu.vector_load %arg9[%parallel_loop3A_75, %parallel_loop3A_76] {strides = array<i32>} : memref<400x128xf32, #tpu.memory_space<vmem>>, vector<1x16xf32>,
      %parallel_loop3A_78 = vector.shape_cast %parallel_loop3A_77 : vector<1x16xf32> to vector<16xf32>
      %parallel_loop3A_79 = vector.shape_cast %parallel_loop3A_74 : vector<16xf32> to vector<1x16xf32>
      tpu.vector_store %arg9[%parallel_loop3A_75, %parallel_loop3A_76], %parallel_loop3A_79 {strides = array<i32>} : memref<400x128xf32, #tpu.memory_space<vmem>>, vector<1x16xf32>,
    } {sc.loop_unroll_factor = 8 : i64, sc.parallel_access}
    %add3A_29 = arith.constant 25200 : i32
    %add3A_30 = arith.addi %mul3A_2, %add3A_29 : i32
    "tpu.region"() ({
      %run_scoped3A = tpu.sem_alloc : memref<!tpu.dma_semaphore, #tpu.memory_space<semaphore_mem>>
      %dma_start3A_31 = arith.constant 0 : i32
      %dma_start3A_32 = tpu.memref_slice %arg4[%add3A_30, %dma_start3A_31] : memref<819200x128xf32, #tpu.memory_space<hbm>> -> memref<400x128xf32, #tpu.memory_space<hbm>>
      %dma_start3A_33 = arith.constant 0 : i32
      %dma_start3A_34 = tpu.memref_slice %arg4[%add3A_30, %dma_start3A_33] : memref<819200x128xf32, #tpu.memory_space<hbm>> -> memref<400x128xf32, #tpu.memory_space<hbm>>
      tpu.enqueue_dma source(%arg9 : memref<400x128xf32, #tpu.memory_space<vmem>>) target(%dma_start3A_34 : memref<400x128xf32, #tpu.memory_space<hbm>>) target_semaphore(%run_scoped3A : memref<!tpu.dma_semaphore, #tpu.memory_space<semaphore_mem>>)
      %dma_wait3A_35 = arith.constant 0 : i32
      %dma_wait3A_36 = tpu.memref_slice %arg4[%add3A_30, %dma_wait3A_35] : memref<819200x128xf32, #tpu.memory_space<hbm>> -> memref<400x128xf32, #tpu.memory_space<hbm>>
      %dma_wait3A_37 = arith.constant 0 : i32
      %dma_wait3A_38 = tpu.memref_slice %arg4[%add3A_30, %dma_wait3A_37] : memref<819200x128xf32, #tpu.memory_space<hbm>> -> memref<400x128xf32, #tpu.memory_space<hbm>>
      tpu.wait_dma2 semaphore(%run_scoped3A : memref<!tpu.dma_semaphore, #tpu.memory_space<semaphore_mem>>) src(%arg9 : memref<400x128xf32, #tpu.memory_space<vmem>>) dst(%dma_wait3A_38 : memref<400x128xf32, #tpu.memory_space<hbm>>)
      tpu.yield
    }) : () -> ()
    return
  }
}

</mosaic_0001>

<sc_bundles>
// kernel: kernel.3.cloned.1.call-start
scs
__scs_entry_jumppad:
0x0: {  	(pc) =	sbr.rel $0x88, $3  }
0x1: {  	(tag) =	ssettag $0x0;
	lr =	simm.s32 $0x1  }
0x2: {  	[smem:$0x3F9F] =	sst lr;
	_ =	strace $0xD0000000  }
0x3: {  	_ = 	snop  }
0x4: {  	_ = 	snop  }
0x5: {  	_ = 	snop  }
0x6: {  	_ = 	snop  }
0x7: {  	_ = 	snop  }
__scs_overlays_trampoline_lowered:
0x8: {  	[smem:$0x3FAE] =	sst s0  }
0x9: {  	[smem:$0x3FAF] =	sst s1  }
0xa: {  	[smem:$0x3FB0] =	sst s2  }
0xb: {  	[smem:$0x3FB1] =	sst s3  }
0xc: {  	[smem:$0x3FB2] =	sst s4  }
0xd: {  	[smem:$0x3FB3] =	sst s5  }
0xe: {  	[smem:$0x3FB4] =	sst s6  }
0xf: {  	[smem:$0x3FB5] =	sst s7  }
0x10: {  	[smem:$0x3FB6] =	sst s8  }
0x11: {  	[smem:$0x3FB7] =	sst s9;
	s0 =	simm.s32 @!p0 $0x0  }
0x12: {  	s1 =	sld [smem:$0x3F9D];
	s0 =	simm.s32 @p0 $0x1  }
0x13: {  	[smem:$0x3FB8] =	sst s0;
	s0 =	simm.s32 @!p1 $0x0  }
0x14: {  	s2 =	sld [smem:$0x3F9C];
	s0 =	simm.s32 @p1 $0x1  }
0x15: {  	[smem:$0x3FB9] =	sst s0;
	s0 =	simm.s32 @!p2 $0x0  }
0x16: {  	s3 =	sld [smem:$0x3FDB];
	s0 =	simm.s32 @p2 $0x1  }
0x17: {  	s4 =	simm.s32 $0x1BF5;
	[smem:$0x3FBB] =	sst s0  }
0x18: {  	s0 =	sld [smem:$0x3F9E];
	_ =	swait.ge [sflag:s4], $0x0  }
0x19: {  	s7 =	sld [smem:$0x3F9F]  }
0x1a: {  	s8 =	sadd.s32 $0xFFFFE003, lr  }
0x1b: {  	s9 =	sadd.s32 $0xFFFFFEF7, lr;
	s5 =	simm.s32 $0xFFFFFFFF;
	p2 =	slt.u32 s8, $0xFFFFF086  }
0x1c: {  	p1 =	slt.u32 s9, $0xF7A;
	s5 =	simm.s32 @!p2 $0x0  }
0x1d: {  	s5 =	simm.s32 @p1 $0x1;
	p0 =	seq.s32 s7, s2  }
0x1e: {  	s7 =	smul.u32 @!p0 $0xF7A, s2;
	p2 =	seq.s32 @!p0 s5, $0x0  }
0x1f: {  	s9 =	smul.u32 $0xF7A, s1;
	s8 =	simm.s32 @!p0 $0x1BF5;
	p2 =	por !p2, p0  }
0x20: {  	[sflag:s8] =	ssyncset.s32 @!p0 $0xFFFFF086;
	s6 =	sadd.s32 @!p0 s3, s7;
	s7 =	simm.s32 @!p0 $0x108  }
0x21: {  	s3 =	sadd.s32 s3, s9;
	s6 =	sadd.s32 @!p0 $0x88, s6;
	s7 =	simm.s32 @p2 $0x1082  }
0x22: {  	[simem:s7], [sflag:s8] =	dma.local @!p0 [hbm:s6], $0xF7A  }
0x23: {  	s9 =	sor.u32 $0xD0000000, s2;
	s6 =	simm.s32 $0x108;
	_ =	swait.ge @!p0 [sflag:s8], $0x0  }
0x24: {  	s3 =	sadd.s32 $0x88, s3;
	s6 =	simm.s32 @!p1 $0x1082;
	[sflag:s4] =	ssyncset.s32 $0xFFFFF086  }
0x25: {  	[simem:s6], [sflag:s4] =	dma.local [hbm:s3], $0xF7A  }
0x26: {  	[smem:$0x3F9F] =	sst s1;
	(tag) =	ssettag s2;
	_ =	strace s9  }
0x27: {  	s1 =	sld [smem:$0x3FAF]  }
0x28: {  	s2 =	sld [smem:$0x3FB0]  }
0x29: {  	s4 =	sld [smem:$0x3FB2]  }
0x2a: {  	p0 =	seq.s32 s5, $0x0;
	s5 =	sld [smem:$0x3FB3]  }
0x2b: {  	s6 =	sld [smem:$0x3FB4]  }
0x2c: {  	s7 =	sld [smem:$0x3FB5]  }
0x2d: {  	s3 =	simm.s32 $0x108;
	s8 =	sld [smem:$0x3FB6]  }
0x2e: {  	s3 =	simm.s32 @!p0 $0x1082;
	s9 =	sld [smem:$0x3FB7]  }
0x2f: {  	lr =	sadd.s32 s0, s3;
	s0 =	sld [smem:$0x3FAE]  }
0x30: {  	s3 =	sld [smem:$0x3FB1]  }
0x31: {  	[smem:$0x3FBA] =	sst s10  }
0x32: {  	s10 =	sld [smem:$0x3FB8];
	_ =	sdelay $0x3  }
0x33: {  	p0 =	seq.s32 s10, $0x1;
	s10 =	sld [smem:$0x3FBA];
	_ =	sdelay $0x3  }
0x34: {  	[smem:$0x3FBA] =	sst s10  }
0x35: {  	s10 =	sld [smem:$0x3FB9];
	_ =	sdelay $0x3  }
0x36: {  	p1 =	seq.s32 s10, $0x1;
	s10 =	sld [smem:$0x3FBA];
	_ =	sdelay $0x3  }
0x37: {  	[smem:$0x3FBA] =	sst s10  }
0x38: {  	s10 =	sld [smem:$0x3FBB]  }
0x39: {  	_ = 	snop;
	(pc) =	sbr.ind lr, $3  }
0x3a: {  	_ = 	snop  }
0x3b: {  	_ = 	snop  }
0x3c: {  	p2 =	seq.s32 s10, $0x1;
	s10 =	sld [smem:$0x3FBA]  }
0x3d: {  	_ =	shalt  }
0x3e: {  	_ =	shalt  }
0x3f: {  	_ =	shalt  }
0x40: {  	_ =	shalt  }
0x41: {  	_ =	shalt  }
0x42: {  	_ =	shalt  }
0x43: {  	_ =	shalt  }
0x44: {  	_ =	shalt  }
0x45: {  	_ =	shalt  }
0x46: {  	_ =	shalt  }
0x47: {  	_ =	shalt  }
0x48: {  	_ =	shalt  }
0x49: {  	_ =	shalt  }
0x4a: {  	_ =	shalt  }
0x4b: {  	_ =	shalt  }
0x4c: {  	_ =	shalt  }
0x4d: {  	_ =	shalt  }
0x4e: {  	_ =	shalt  }
0x4f: {  	_ =	shalt  }
0x50: {  	_ =	shalt  }
0x51: {  	_ =	shalt  }
0x52: {  	_ =	shalt  }
0x53: {  	_ =	shalt  }
0x54: {  	_ =	shalt  }
0x55: {  	_ =	shalt  }
0x56: {  	_ =	shalt  }
0x57: {  	_ =	shalt  }
0x58: {  	_ =	shalt  }
0x59: {  	_ =	shalt  }
0x5a: {  	_ =	shalt  }
0x5b: {  	_ =	shalt  }
0x5c: {  	_ =	shalt  }
0x5d: {  	_ =	shalt  }
0x5e: {  	_ =	shalt  }
0x5f: {  	_ =	shalt  }
0x60: {  	_ =	shalt  }
0x61: {  	_ =	shalt  }
0x62: {  	_ =	shalt  }
0x63: {  	_ =	shalt  }
0x64: {  	_ =	shalt  }
0x65: {  	_ =	shalt  }
0x66: {  	_ =	shalt  }
0x67: {  	_ =	shalt  }
0x68: {  	_ =	shalt  }
0x69: {  	_ =	shalt  }
0x6a: {  	_ =	shalt  }
0x6b: {  	_ =	shalt  }
0x6c: {  	_ =	shalt  }
0x6d: {  	_ =	shalt  }
0x6e: {  	_ =	shalt  }
0x6f: {  	_ =	shalt  }
0x70: {  	_ =	shalt  }
0x71: {  	_ =	shalt  }
0x72: {  	_ =	shalt  }
0x73: {  	_ =	shalt  }
0x74: {  	_ =	shalt  }
0x75: {  	_ =	shalt  }
0x76: {  	_ =	shalt  }
0x77: {  	_ =	shalt  }
0x78: {  	_ =	shalt  }
0x79: {  	_ =	shalt  }
0x7a: {  	_ =	shalt  }
0x7b: {  	_ =	shalt  }
0x7c: {  	_ =	shalt  }
0x7d: {  	_ =	shalt  }
0x7e: {  	_ =	shalt  }
0x7f: {  	_ =	shalt  }
0x80: {  	_ =	shalt  }
0x81: {  	_ =	shalt  }
0x82: {  	_ =	shalt  }
0x83: {  	_ =	shalt  }
0x84: {  	_ =	shalt  }
0x85: {  	_ =	shalt  }
0x86: {  	_ =	shalt  }
0x87: {  	_ =	shalt  }
.Lfunc_end0:
.L_simem_size_0:
called_computation.1_lowered:
.L_overlay_start_0:
0x88: {  	s2 =	sld [smem:$0x3FD9]  }
0x89: {  	s3 =	sld [smem:$0x3FFE];
	_ =	sdelay $0x1  }
0x8a: {  	s1 =	srdreg.scid  }
0x8b: {  	s0 =	sand.u32 $0x1, s1  }
0x8c: {  	s17 =	sshll.u32 s0, $0xA;
	s2 =	sadd.s32 s3, s2  }
0x8d: {  	s2 =	sadd.s32 s2, s17  }
0x8e: {  	[smem:$0x3FC6] =	sst s2  }
0x8f: {  	_ = 	snop  }
0x90: {  	s2 =	sld [smem:$0x3FD0];
	(tm) =	ssettm $0x1  }
0x91: {  	s18 =	sld [smem:$0x3FFB];
	_ =	sdelay $0x3  }
0x92: {  	_ =	strace s18  }
0x93: {  	s3 =	sld [smem:$0x3FFC];
	_ =	sdelay $0x3  }
0x94: {  	_ =	strace s3  }
0x95: {  	s3 =	sld [smem:$0x3FFD];
	_ =	sdelay $0x3  }
0x96: {  	_ =	strace s3  }
0x97: {  	_ =	strace $0x8FFFFFFF  }
0x98: {  	s19 =	sld [smem:$0x3FDB];
	_ =	sdelay $0x1  }
0x99: {  	s4 =	simm.s32 $_scs_section_size  }
0x9a: {  	s5 =	simm.s32 $_size__tile_overlayer_lowered;
	s6 =	simm.s32 $_tile_overlayer_lowered  }
0x9b: {  	s22 =	simm.s32 $0x1BFF;
	s21 =	sshll.u32 s6, $0x1;
	s3 =	sadd.s32 s4, s19  }
0x9c: {  	s7 =	simm.s32 $0x0;
	s20 =	sshll.u32 s5, $0x1;
	s5 =	sadd.s32 s21, s3  }
0x9d: {  	[timem:s7], [sflag:s22] =	dma.local [hbm:s5], s20  }
0x9e: {  	_ =	swait.ge [sflag:s22], s20  }
0x9f: {  	s4 =	ssub.s32 $0x0, s20;
	[sflag:s22] =	ssyncset.done $0x0  }
0xa0: {  	[sflag:s22] =	ssyncadd.s32 s4;
	_ =	sdelay $0x1  }
0xa1: {  	s23 =	simm.s32 $0x1B8B  }
0xa2: {  	_ =	swait.ge [sflag:s23], $0x1  }
0xa3: {  	[sflag:s23] =	ssyncset.done $0x0  }
0xa4: {  	s25 =	simm.s32 $0x1B8E;
	s24 =	sld [smem:$0x3FFE];
	[sflag:s23] =	ssyncadd.s32 $0xFFFFFFFF  }
0xa5: {  	s26 =	simm.s32 $execute0_lowered;
	[smem:$0x3FD2] =	sst s25  }
0xa6: {  	s5 =	sshll.u32 s26, $0x1;
	_ =	strace $0x80000046;
	[dreg:$0x1] =	wrdreg $0xFFFFFFFF  }
0xa7: {  	s28 =	simm.s32 $_size_execute0_lowered;
	s3 =	sadd.s32 s3, s5;
	[dreg:$0x0] =	wrdreg $0x0  }
0xa8: {  	s5 =	sshll.u32 s28, $0x1;
	[dreg:$0x2] =	wrdreg s3  }
0xa9: {  	[dreg:$0x3] =	wrdreg s5  }
0xaa: {  	[dreg:$0x4] =	wrdreg $0xC0  }
0xab: {  	_ =	task [dreg:s7], $0x5FFFF  }
0xac: {  	[dreg:$0x1] =	wrdreg $0xFFFFFFFF  }
0xad: {  	[dreg:$0x0] =	wrdreg $0x60  }
0xae: {  	[dreg:$0x2] =	wrdreg s2  }
0xaf: {  	[dreg:$0x3] =	wrdreg s24  }
0xb0: {  	[dreg:$0x4] =	wrdreg $0x9  }
0xb1: {  	_ =	task.clear_ibuf [dreg:s7], $0x5FFFF;
	_ =	strace $0x90000046  }
0xb2: {  	s29 =	simm.s32 $0x9;
	_ =	strace $0x80000048  }
0xb3: {  	_ =	swait.ge [sflag:s29], $0x1  }
0xb4: {  	[sflag:s29] =	ssyncadd.s32 $0xFFFFFFFF  }
0xb5: {  	_ =	strace $0x90000048  }
0xb6: {  	_ =	sfence  }
0xb7: {  	s30 =	sld [smem:$0x0];
	_ =	sdelay $0x2  }
0xb8: {  	s31 =	sshll.u32 s1, $0xD;
	s1 =	sshrl.u32 s1, $0x2  }
0xb9: {  	s3 =	sand.u32 $0x4000, s31;
	s1 =	sadd.s32 s1, s30  }
0xba: {  	s0 =	sor.u32 s3, s0;
	s1 =	sshll.u32 s1, $0x11  }
0xbb: {  	s0 =	sor.u32 s1, s0  }
0xbc: {  	s0 =	sadd.s32 $0x8F2B, s0  }
0xbd: {  	[sflag:s0] =	ssyncadd.remote.s32 $0x1  }
0xbe: {  	_ =	sfence.sel $0xFFFF  }
0xbf: {  	[dreg:$0x0] =	wrdreg $0xFFFFFFFF;
	(pc) =	sbr.abs _section_cstart, $3  }
0xc0: {  	[dreg:$0x1] =	wrdreg $0xFFFFFFFF  }
0xc1: {  	_ =	task.clear_ibuf [dreg:s7], $0x2FFFF;
	_ =	strace $0x9FFFFFFF  }
0xc2: {  	(tm) =	ssettm $0x7FFFFFFF  }
0xc3: {  	_ =	shalt  }
tec
execute0_lowered:
.L_overlay_start_1:
0x0: {  	(tag) =	ssettag $0x1  }
0x1: {  	s2 =	rddreg [dreg:$0x0]  }
0x2: {  	s6 =	rddreg [dreg:$0x1]  }
0x3: {  	s0 =	rddreg [dreg:$0x2]  }
0x4: {  	s4 =	srdreg.scid;
	s1 =	stileid.u32;
	s3 =	simm.s32 $0x0  }
0x5: {  	s15 =	simm.s32 $0x190;
	s16 =	simm.s32 $0x320;
	s17 =	simm.s32 $0x6720  }
0x6: {  	s18 =	simm.s32 $0x1;
	s19 =	simm.s32 $0xCB20;
	s20 =	simm.s32 $0x2  }
0x7: {  	s21 =	simm.s32 $0x0;
	s7 =	sand.u32 $0x1, s4;
	s30 =	sshll.u32 s1, $0x1  }
0x8: {  	[smem:$0x7FF] =	sst s3;
	s5 =	sadd.s32 $0xF42E00, s6;
	s8 =	sor.u32 s7, s30  }
0x9: {  	s6 =	sadd.s32 $0xA00, s6;
	s7 =	ssub.s32 $0x2, s7;
	s4 =	smul.u32 $0x6400, s8  }
0xa: {  	_ =	strace $0x80000047;
	s9 =	sshrl.u32 s7, $0x1;
	s11 =	smul.u32 $0x320000, s8  }
0xb: {  	s13 =	ssub.s32 s7, s9;
	s10 =	sshrl.u32 s4, $0x3;
	s8 =	sor.u32 $0x190, s4  }
0xc: {  	s9 =	sor.u32 $0x320, s4;
	s31 =	sadd.s32 $0x6270, s4;
	s11 =	sshrl.u32 s11, $0x3  }
0xd: {  	s13 =	smax.u32 s13, $0x1;
	s7 =	sadd.s32 s2, s10;
	s12 =	sshrl.u32 s31, $0x3  }
0xe: {  	s11 =	sadd.s32 s6, s11;
	s14 =	sshll.u32 s31, $0x4;
	s10 =	sadd.s32 s2, s12  }
0xf: {  	s11 =	sadd.s32 $0x60E00, s11;
	s12 =	sadd.s32 s6, s14;
	s14 =	simm.s32 $0x3  }
.LBB2_1:
0x10: {  	[tilespmem:s3], [sflag:$0x3] =	stream.linear.gather [hbm4b:s7+s3], $0x190, $0x38;
	[tilespmem:$0x19320] =	vst v63  }
0x11: {  	_ =	swait.ge [sflag:s14], $0x190  }
0x12: {  	[sflag:s14] =	ssyncset.done $0x0  }
0x13: {  	s22 =	simm.s32 $0x0;
	[sflag:s14] =	ssyncadd.s32 $0xFFFFFE70  }
0x14: {  	[tilespmem:s16], [sflag:$0x1] =	stream.indirect.gather [hbm4b:s5+s15], $0x40, s3, s15, $0xb8;
	[tilespmem:$0x19320] =	vst v63  }
.LBB2_2:
0x15: {  	s24 =	smul.u32 $0x320, s22;
	_ =	sdelay $0x1  }
0x16: {  	s23 =	sadd.s32 s24, s8  }
0x17: {  	s25 =	sshrl.u32 s23, $0x3  }
0x18: {  	s25 =	sadd.s32 s2, s25  }
0x19: {  	[tilespmem:s15], [sflag:$0x3] =	stream.linear.gather [hbm4b:s25+s3], $0x190, $0x38;
	[tilespmem:$0x19320] =	vst v63  }
0x1a: {  	_ =	swait.ge [sflag:s14], $0x190  }
0x1b: {  	[sflag:s14] =	ssyncset.done $0x0  }
0x1c: {  	[sflag:s14] =	ssyncadd.s32 $0xFFFFFE70  }
0x1d: {  	[tilespmem:s17], [sflag:$0x2] =	stream.indirect.gather [hbm4b:s5+s15], $0x40, s15, s15, $0xb8;
	[tilespmem:$0x19320] =	vst v63  }
0x1e: {  	_ =	swait.ge [sflag:s18], $0x6400  }
0x1f: {  	[sflag:s18] =	ssyncset.done $0x0  }
0x20: {  	s28 =	simm.s32 $0x420;
	[sflag:s18] =	ssyncadd.s32 $0xFFFF9C00  }
0x21: {  	v0 =	vld [tilespmem:s28+$0xC0]  }
0x22: {  	v1 =	vld [tilespmem:s28+$0xFFFFFF40]  }
0x23: {  	v2 =	vld [tilespmem:s28+$0xFFFFFF80]  }
0x24: {  	v3 =	vld [tilespmem:s28+$0xFFFFFFC0]  }
0x25: {  	v4 =	vld [tilespmem:s28+$0x0]  }
0x26: {  	v5 =	vld [tilespmem:s28+$0x40];
	v0 =	vmul.f32 $8.000000000e+00, v0  }
0x27: {  	s25 =	simm.s32 $0xCD20;
	v6 =	vld [tilespmem:s28+$0x80];
	v1 =	vmul.f32 $8.000000000e+00, v1  }
0x28: {  	v7 =	vld [tilespmem:s28+$0xFFFFFF00];
	v2 =	vmul.f32 $8.000000000e+00, v2;
	[tilespmem:s25+$0x180] =	vst v0  }
0x29: {  	[tilespmem:s25+$0xFFFFFE80] =	vst v1;
	v0 =	vmul.f32 $8.000000000e+00, v3;
	v1 =	vld [tilespmem:s28+$0xD0]  }
0x2a: {  	[tilespmem:s25+$0xFFFFFF00] =	vst v2;
	v2 =	vmul.f32 $8.000000000e+00, v4;
	v3 =	vld [tilespmem:s28+$0xFFFFFF50]  }
0x2b: {  	v4 =	vld [tilespmem:s28+$0xFFFFFF90];
	[tilespmem:s25+$0xFFFFFF80] =	vst v0;
	v0 =	vmul.f32 $8.000000000e+00, v5  }
0x2c: {  	[tilespmem:s25+$0x0] =	vst v2;
	v2 =	vmul.f32 $8.000000000e+00, v6;
	v5 =	vld [tilespmem:s28+$0xFFFFFFD0]  }
0x2d: {  	v6 =	vmul.f32 $8.000000000e+00, v7;
	v7 =	vld [tilespmem:s28+$0x10];
	[tilespmem:s25+$0x80] =	vst v0  }
0x2e: {  	[tilespmem:s25+$0x100] =	vst v2;
	v0 =	vld [tilespmem:s28+$0x50];
	v1 =	vmul.f32 $8.000000000e+00, v1  }
0x2f: {  	[tilespmem:s25+$0xFFFFFE00] =	vst v6;
	v2 =	vmul.f32 $8.000000000e+00, v3;
	v3 =	vld [tilespmem:s28+$0x90]  }
0x30: {  	v6 =	vld [tilespmem:s28+$0xFFFFFF10];
	v4 =	vmul.f32 $8.000000000e+00, v4;
	[tilespmem:s25+$0x190] =	vst v1  }
0x31: {  	[tilespmem:s25+$0xFFFFFE90] =	vst v2;
	v1 =	vmul.f32 $8.000000000e+00, v5;
	v2 =	vld [tilespmem:s28+$0xE0]  }
0x32: {  	[tilespmem:s25+$0xFFFFFF10] =	vst v4;
	v4 =	vmul.f32 $8.000000000e+00, v7;
	v5 =	vld [tilespmem:s28+$0xFFFFFF60]  }
0x33: {  	v7 =	vld [tilespmem:s28+$0xFFFFFFA0];
	[tilespmem:s25+$0xFFFFFF90] =	vst v1;
	v0 =	vmul.f32 $8.000000000e+00, v0  }
0x34: {  	[tilespmem:s25+$0x10] =	vst v4;
	v1 =	vld [tilespmem:s28+$0xFFFFFFE0];
	v3 =	vmul.f32 $8.000000000e+00, v3  }
0x35: {  	v4 =	vmul.f32 $8.000000000e+00, v6;
	v6 =	vld [tilespmem:s28+$0x20];
	[tilespmem:s25+$0x90] =	vst v0  }
0x36: {  	v0 =	vld [tilespmem:s28+$0x60];
	[tilespmem:s25+$0x110] =	vst v3;
	v2 =	vmul.f32 $8.000000000e+00, v2  }
0x37: {  	[tilespmem:s25+$0xFFFFFE10] =	vst v4;
	v3 =	vmul.f32 $8.000000000e+00, v5;
	v4 =	vld [tilespmem:s28+$0xA0]  }
0x38: {  	v5 =	vld [tilespmem:s28+$0xFFFFFF20];
	v7 =	vmul.f32 $8.000000000e+00, v7;
	[tilespmem:s25+$0x1A0] =	vst v2  }
0x39: {  	[tilespmem:s25+$0xFFFFFEA0] =	vst v3;
	v1 =	vmul.f32 $8.000000000e+00, v1;
	v3 =	vld [tilespmem:s28+$0xF0]  }
0x3a: {  	[tilespmem:s25+$0xFFFFFF20] =	vst v7;
	v2 =	vmul.f32 $8.000000000e+00, v6;
	v8 =	vld [tilespmem:s28+$0xFFFFFF70]  }
0x3b: {  	v7 =	vld [tilespmem:s28+$0xFFFFFFB0];
	[tilespmem:s25+$0xFFFFFFA0] =	vst v1;
	v1 =	vmul.f32 $8.000000000e+00, v0  }
0x3c: {  	[tilespmem:s25+$0x20] =	vst v2;
	v0 =	vld [tilespmem:s28+$0xFFFFFFF0];
	v4 =	vmul.f32 $8.000000000e+00, v4  }
0x3d: {  	v5 =	vmul.f32 $8.000000000e+00, v5;
	v2 =	vld [tilespmem:s28+$0x30];
	[tilespmem:s25+$0xA0] =	vst v1  }
0x3e: {  	v1 =	vld [tilespmem:s28+$0x70];
	[tilespmem:s25+$0x120] =	vst v4;
	v9 =	vmul.f32 $8.000000000e+00, v3  }
0x3f: {  	[tilespmem:s25+$0xFFFFFE20] =	vst v5;
	v3 =	vld [tilespmem:s28+$0xB0];
	v6 =	vmul.f32 $8.000000000e+00, v8  }
0x40: {  	s26 =	simm.s32 $0x0;
	v4 =	vld [tilespmem:s28+$0xFFFFFF30];
	v5 =	vmul.f32 $8.000000000e+00, v7;
	s28 =	simm.s32 $0x620;
	[tilespmem:s25+$0x1B0] =	vst v9  }
.LBB2_3:
0x41: {  	v7 =	vld [tilespmem:s28+$0xC0];
	s26 =	sadd.s32 $0x8, s26;
	[tilespmem:s25+$0xFFFFFEB0] =	vst v6;
	v0 =	vmul.f32 $8.000000000e+00, v0  }
0x42: {  	v6 =	vld [tilespmem:s28+$0xFFFFFF40];
	p0 =	slt.u32 s26, $0x188;
	[tilespmem:s25+$0xFFFFFF30] =	vst v5;
	v2 =	vmul.f32 $8.000000000e+00, v2  }
0x43: {  	v5 =	vld [tilespmem:s28+$0xFFFFFF80];
	[tilespmem:s25+$0xFFFFFFB0] =	vst v0;
	v0 =	vmul.f32 $8.000000000e+00, v1  }
0x44: {  	v1 =	vld [tilespmem:s28+$0xFFFFFFC0];
	[tilespmem:s25+$0x30] =	vst v2;
	v2 =	vmul.f32 $8.000000000e+00, v3  }
0x45: {  	v3 =	vld [tilespmem:s28+$0x0];
	v4 =	vmul.f32 $8.000000000e+00, v4;
	[tilespmem:s25+$0xB0] =	vst v0  }
0x46: {  	v0 =	vld [tilespmem:s28+$0x40];
	v7 =	vmul.f32 $8.000000000e+00, v7;
	[tilespmem:s25+$0x130] =	vst v2  }
0x47: {  	v2 =	vmul.f32 $8.000000000e+00, v6;
	v6 =	vld [tilespmem:s28+$0x80];
	[tilespmem:s25+$0xFFFFFE30] =	vst v4;
	s25 =	sadd.s32 $0x400, s25  }
0x48: {  	v4 =	vld [tilespmem:s28+$0xFFFFFF00];
	v5 =	vmul.f32 $8.000000000e+00, v5;
	[tilespmem:s25+$0x180] =	vst v7  }
0x49: {  	[tilespmem:s25+$0xFFFFFE80] =	vst v2;
	v1 =	vmul.f32 $8.000000000e+00, v1;
	v2 =	vld [tilespmem:s28+$0xD0]  }
0x4a: {  	v7 =	vld [tilespmem:s28+$0xFFFFFF50];
	[tilespmem:s25+$0xFFFFFF00] =	vst v5;
	v3 =	vmul.f32 $8.000000000e+00, v3  }
0x4b: {  	v5 =	vld [tilespmem:s28+$0xFFFFFF90];
	[tilespmem:s25+$0xFFFFFF80] =	vst v1;
	v0 =	vmul.f32 $8.000000000e+00, v0  }
0x4c: {  	v1 =	vld [tilespmem:s28+$0xFFFFFFD0];
	[tilespmem:s25+$0x0] =	vst v3;
	v3 =	vmul.f32 $8.000000000e+00, v6  }
0x4d: {  	v4 =	vmul.f32 $8.000000000e+00, v4;
	v6 =	vld [tilespmem:s28+$0x10];
	[tilespmem:s25+$0x80] =	vst v0  }
0x4e: {  	v0 =	vld [tilespmem:s28+$0x50];
	[tilespmem:s25+$0x100] =	vst v3;
	v2 =	vmul.f32 $8.000000000e+00, v2  }
0x4f: {  	[tilespmem:s25+$0xFFFFFE00] =	vst v4;
	v3 =	vmul.f32 $8.000000000e+00, v7;
	v4 =	vld [tilespmem:s28+$0x90]  }
0x50: {  	v7 =	vld [tilespmem:s28+$0xFFFFFF10];
	v5 =	vmul.f32 $8.000000000e+00, v5;
	[tilespmem:s25+$0x190] =	vst v2  }
0x51: {  	[tilespmem:s25+$0xFFFFFE90] =	vst v3;
	v1 =	vmul.f32 $8.000000000e+00, v1;
	v2 =	vld [tilespmem:s28+$0xE0]  }
0x52: {  	v3 =	vld [tilespmem:s28+$0xFFFFFF60];
	[tilespmem:s25+$0xFFFFFF10] =	vst v5;
	v5 =	vmul.f32 $8.000000000e+00, v6  }
0x53: {  	v6 =	vld [tilespmem:s28+$0xFFFFFFA0];
	[tilespmem:s25+$0xFFFFFF90] =	vst v1;
	v0 =	vmul.f32 $8.000000000e+00, v0  }
0x54: {  	v1 =	vld [tilespmem:s28+$0xFFFFFFE0];
	[tilespmem:s25+$0x10] =	vst v5;
	v4 =	vmul.f32 $8.000000000e+00, v4  }
0x55: {  	v5 =	vmul.f32 $8.000000000e+00, v7;
	v7 =	vld [tilespmem:s28+$0x20];
	[tilespmem:s25+$0x90] =	vst v0  }
0x56: {  	v0 =	vld [tilespmem:s28+$0x60];
	[tilespmem:s25+$0x110] =	vst v4;
	v2 =	vmul.f32 $8.000000000e+00, v2  }
0x57: {  	[tilespmem:s25+$0xFFFFFE10] =	vst v5;
	v3 =	vmul.f32 $8.000000000e+00, v3;
	v4 =	vld [tilespmem:s28+$0xA0]  }
0x58: {  	v5 =	vld [tilespmem:s28+$0xFFFFFF20];
	v6 =	vmul.f32 $8.000000000e+00, v6;
	[tilespmem:s25+$0x1A0] =	vst v2  }
0x59: {  	[tilespmem:s25+$0xFFFFFEA0] =	vst v3;
	v1 =	vmul.f32 $8.000000000e+00, v1;
	v3 =	vld [tilespmem:s28+$0xF0]  }
0x5a: {  	v8 =	vld [tilespmem:s28+$0xFFFFFF70];
	[tilespmem:s25+$0xFFFFFF20] =	vst v6;
	v2 =	vmul.f32 $8.000000000e+00, v7  }
0x5b: {  	v7 =	vld [tilespmem:s28+$0xFFFFFFB0];
	[tilespmem:s25+$0xFFFFFFA0] =	vst v1;
	v1 =	vmul.f32 $8.000000000e+00, v0  }
.Ltmp0:
0x5c: {  	v0 =	vld [tilespmem:s28+$0xFFFFFFF0];
	[tilespmem:s25+$0x20] =	vst v2;
	v4 =	vmul.f32 $8.000000000e+00, v4;
	(pc) =	sbr.rel @p0 .LBB2_3-.Ltmp0, $4  }
0x5d: {  	v5 =	vmul.f32 $8.000000000e+00, v5;
	v2 =	vld [tilespmem:s28+$0x30];
	[tilespmem:s25+$0xA0] =	vst v1  }
0x5e: {  	v1 =	vld [tilespmem:s28+$0x70];
	[tilespmem:s25+$0x120] =	vst v4;
	v9 =	vmul.f32 $8.000000000e+00, v3  }
0x5f: {  	[tilespmem:s25+$0xFFFFFE20] =	vst v5;
	v6 =	vmul.f32 $8.000000000e+00, v8;
	v3 =	vld [tilespmem:s28+$0xB0]  }
0x60: {  	v4 =	vld [tilespmem:s28+$0xFFFFFF30];
	v5 =	vmul.f32 $8.000000000e+00, v7;
	[tilespmem:s25+$0x1B0] =	vst v9;
	s28 =	sadd.s32 $0x200, s28  }
0x61: {  	[tilespmem:s25+$0xFFFFFEB0] =	vst v6;
	v0 =	vmul.f32 $8.000000000e+00, v0  }
0x62: {  	[tilespmem:s25+$0xFFFFFF30] =	vst v5;
	v2 =	vmul.f32 $8.000000000e+00, v2  }
0x63: {  	[tilespmem:s25+$0xFFFFFFB0] =	vst v0;
	v0 =	vmul.f32 $8.000000000e+00, v1  }
0x64: {  	[tilespmem:s25+$0x30] =	vst v2;
	v1 =	vmul.f32 $8.000000000e+00, v3  }
0x65: {  	s26 =	sadd.s32 s4, s24;
	v2 =	vmul.f32 $8.000000000e+00, v4;
	[tilespmem:s25+$0xB0] =	vst v0  }
0x66: {  	s26 =	sshll.u32 s26, $0x4;
	[tilespmem:s25+$0x130] =	vst v1  }
0x67: {  	s29 =	sadd.s32 s6, s26;
	[tilespmem:s25+$0xFFFFFE30] =	vst v2  }
0x68: {  	[hbm4b:s29+s3] =	stream.linear.scatter [tilespmem:s19], [sflag:$0x3], $0xC800, $0x38;
	[tilespmem:$0x19320] =	vst v63  }
0x69: {  	s30 =	sadd.s32 s24, s9;
	_ =	swait.ge [sflag:s14], $0xC800  }
0x6a: {  	s24 =	sshrl.u32 s30, $0x3;
	[sflag:s14] =	ssyncset.done $0x0  }
0x6b: {  	s24 =	sadd.s32 s2, s24;
	[sflag:s14] =	ssyncadd.s32 $0xFFFF3800  }
0x6c: {  	[tilespmem:s3], [sflag:$0x3] =	stream.linear.gather [hbm4b:s24+s3], $0x190, $0x38;
	[tilespmem:$0x19320] =	vst v63  }
0x6d: {  	_ =	swait.ge [sflag:s14], $0x190  }
0x6e: {  	[sflag:s14] =	ssyncset.done $0x0  }
0x6f: {  	[sflag:s14] =	ssyncadd.s32 $0xFFFFFE70  }
0x70: {  	[tilespmem:s16], [sflag:$0x1] =	stream.indirect.gather [hbm4b:s5+s15], $0x40, s3, s15, $0xb8;
	[tilespmem:$0x19320] =	vst v63  }
0x71: {  	_ =	swait.ge [sflag:s20], $0x6400  }
0x72: {  	[sflag:s20] =	ssyncset.done $0x0  }
0x73: {  	s31 =	simm.s32 $0x6820;
	[sflag:s20] =	ssyncadd.s32 $0xFFFF9C00  }
0x74: {  	v0 =	vld [tilespmem:s31+$0xC0]  }
0x75: {  	v1 =	vld [tilespmem:s31+$0xFFFFFF40]  }
0x76: {  	v2 =	vld [tilespmem:s31+$0xFFFFFF80]  }
0x77: {  	v3 =	vld [tilespmem:s31+$0xFFFFFFC0]  }
0x78: {  	v4 =	vld [tilespmem:s31+$0x0]  }
0x79: {  	v5 =	vld [tilespmem:s31+$0x40];
	v0 =	vmul.f32 $8.000000000e+00, v0  }
0x7a: {  	s24 =	simm.s32 $0xCD20;
	v6 =	vld [tilespmem:s31+$0x80];
	v1 =	vmul.f32 $8.000000000e+00, v1  }
0x7b: {  	v7 =	vld [tilespmem:s31+$0xFFFFFF00];
	v2 =	vmul.f32 $8.000000000e+00, v2;
	[tilespmem:s24+$0x180] =	vst v0  }
0x7c: {  	[tilespmem:s24+$0xFFFFFE80] =	vst v1;
	v0 =	vmul.f32 $8.000000000e+00, v3;
	v1 =	vld [tilespmem:s31+$0xD0]  }
0x7d: {  	[tilespmem:s24+$0xFFFFFF00] =	vst v2;
	v2 =	vmul.f32 $8.000000000e+00, v4;
	v3 =	vld [tilespmem:s31+$0xFFFFFF50]  }
0x7e: {  	v4 =	vld [tilespmem:s31+$0xFFFFFF90];
	[tilespmem:s24+$0xFFFFFF80] =	vst v0;
	v0 =	vmul.f32 $8.000000000e+00, v5  }
0x7f: {  	[tilespmem:s24+$0x0] =	vst v2;
	v2 =	vmul.f32 $8.000000000e+00, v6;
	v5 =	vld [tilespmem:s31+$0xFFFFFFD0]  }
0x80: {  	v6 =	vmul.f32 $8.000000000e+00, v7;
	v7 =	vld [tilespmem:s31+$0x10];
	[tilespmem:s24+$0x80] =	vst v0  }
0x81: {  	[tilespmem:s24+$0x100] =	vst v2;
	v0 =	vld [tilespmem:s31+$0x50];
	v1 =	vmul.f32 $8.000000000e+00, v1  }
0x82: {  	[tilespmem:s24+$0xFFFFFE00] =	vst v6;
	v2 =	vmul.f32 $8.000000000e+00, v3;
	v3 =	vld [tilespmem:s31+$0x90]  }
0x83: {  	v6 =	vld [tilespmem:s31+$0xFFFFFF10];
	v4 =	vmul.f32 $8.000000000e+00, v4;
	[tilespmem:s24+$0x190] =	vst v1  }
0x84: {  	[tilespmem:s24+$0xFFFFFE90] =	vst v2;
	v1 =	vmul.f32 $8.000000000e+00, v5;
	v2 =	vld [tilespmem:s31+$0xE0]  }
0x85: {  	[tilespmem:s24+$0xFFFFFF10] =	vst v4;
	v4 =	vmul.f32 $8.000000000e+00, v7;
	v5 =	vld [tilespmem:s31+$0xFFFFFF60]  }
0x86: {  	v7 =	vld [tilespmem:s31+$0xFFFFFFA0];
	[tilespmem:s24+$0xFFFFFF90] =	vst v1;
	v0 =	vmul.f32 $8.000000000e+00, v0  }
0x87: {  	[tilespmem:s24+$0x10] =	vst v4;
	v1 =	vld [tilespmem:s31+$0xFFFFFFE0];
	v3 =	vmul.f32 $8.000000000e+00, v3  }
0x88: {  	v4 =	vmul.f32 $8.000000000e+00, v6;
	v6 =	vld [tilespmem:s31+$0x20];
	[tilespmem:s24+$0x90] =	vst v0  }
0x89: {  	v0 =	vld [tilespmem:s31+$0x60];
	[tilespmem:s24+$0x110] =	vst v3;
	v2 =	vmul.f32 $8.000000000e+00, v2  }
0x8a: {  	[tilespmem:s24+$0xFFFFFE10] =	vst v4;
	v3 =	vmul.f32 $8.000000000e+00, v5;
	v4 =	vld [tilespmem:s31+$0xA0]  }
0x8b: {  	v5 =	vld [tilespmem:s31+$0xFFFFFF20];
	v7 =	vmul.f32 $8.000000000e+00, v7;
	[tilespmem:s24+$0x1A0] =	vst v2  }
0x8c: {  	[tilespmem:s24+$0xFFFFFEA0] =	vst v3;
	v1 =	vmul.f32 $8.000000000e+00, v1;
	v3 =	vld [tilespmem:s31+$0xF0]  }
0x8d: {  	[tilespmem:s24+$0xFFFFFF20] =	vst v7;
	v2 =	vmul.f32 $8.000000000e+00, v6;
	v8 =	vld [tilespmem:s31+$0xFFFFFF70]  }
0x8e: {  	v7 =	vld [tilespmem:s31+$0xFFFFFFB0];
	[tilespmem:s24+$0xFFFFFFA0] =	vst v1;
	v1 =	vmul.f32 $8.000000000e+00, v0  }
0x8f: {  	[tilespmem:s24+$0x20] =	vst v2;
	v0 =	vld [tilespmem:s31+$0xFFFFFFF0];
	v4 =	vmul.f32 $8.000000000e+00, v4  }
0x90: {  	v5 =	vmul.f32 $8.000000000e+00, v5;
	v2 =	vld [tilespmem:s31+$0x30];
	[tilespmem:s24+$0xA0] =	vst v1  }
0x91: {  	v1 =	vld [tilespmem:s31+$0x70];
	[tilespmem:s24+$0x120] =	vst v4;
	v9 =	vmul.f32 $8.000000000e+00, v3  }
0x92: {  	[tilespmem:s24+$0xFFFFFE20] =	vst v5;
	v3 =	vld [tilespmem:s31+$0xB0];
	v6 =	vmul.f32 $8.000000000e+00, v8  }
0x93: {  	s26 =	simm.s32 $0x6A20;
	s25 =	simm.s32 $0x0;
	v4 =	vld [tilespmem:s31+$0xFFFFFF30];
	v5 =	vmul.f32 $8.000000000e+00, v7;
	[tilespmem:s24+$0x1B0] =	vst v9  }
.LBB2_5:
0x94: {  	v7 =	vld [tilespmem:s26+$0xC0];
	s25 =	sadd.s32 $0x8, s25;
	[tilespmem:s24+$0xFFFFFEB0] =	vst v6;
	v0 =	vmul.f32 $8.000000000e+00, v0  }
0x95: {  	v6 =	vld [tilespmem:s26+$0xFFFFFF40];
	p0 =	slt.u32 s25, $0x188;
	[tilespmem:s24+$0xFFFFFF30] =	vst v5;
	v2 =	vmul.f32 $8.000000000e+00, v2  }
0x96: {  	v5 =	vld [tilespmem:s26+$0xFFFFFF80];
	[tilespmem:s24+$0xFFFFFFB0] =	vst v0;
	v0 =	vmul.f32 $8.000000000e+00, v1  }
0x97: {  	v1 =	vld [tilespmem:s26+$0xFFFFFFC0];
	[tilespmem:s24+$0x30] =	vst v2;
	v2 =	vmul.f32 $8.000000000e+00, v3  }
0x98: {  	v3 =	vld [tilespmem:s26+$0x0];
	v4 =	vmul.f32 $8.000000000e+00, v4;
	[tilespmem:s24+$0xB0] =	vst v0  }
0x99: {  	v0 =	vld [tilespmem:s26+$0x40];
	v7 =	vmul.f32 $8.000000000e+00, v7;
	[tilespmem:s24+$0x130] =	vst v2  }
0x9a: {  	v2 =	vmul.f32 $8.000000000e+00, v6;
	v6 =	vld [tilespmem:s26+$0x80];
	[tilespmem:s24+$0xFFFFFE30] =	vst v4;
	s24 =	sadd.s32 $0x400, s24  }
0x9b: {  	v4 =	vld [tilespmem:s26+$0xFFFFFF00];
	v5 =	vmul.f32 $8.000000000e+00, v5;
	[tilespmem:s24+$0x180] =	vst v7  }
0x9c: {  	[tilespmem:s24+$0xFFFFFE80] =	vst v2;
	v1 =	vmul.f32 $8.000000000e+00, v1;
	v2 =	vld [tilespmem:s26+$0xD0]  }
0x9d: {  	v7 =	vld [tilespmem:s26+$0xFFFFFF50];
	[tilespmem:s24+$0xFFFFFF00] =	vst v5;
	v3 =	vmul.f32 $8.000000000e+00, v3  }
0x9e: {  	v5 =	vld [tilespmem:s26+$0xFFFFFF90];
	[tilespmem:s24+$0xFFFFFF80] =	vst v1;
	v0 =	vmul.f32 $8.000000000e+00, v0  }
0x9f: {  	v1 =	vld [tilespmem:s26+$0xFFFFFFD0];
	[tilespmem:s24+$0x0] =	vst v3;
	v3 =	vmul.f32 $8.000000000e+00, v6  }
0xa0: {  	v4 =	vmul.f32 $8.000000000e+00, v4;
	v6 =	vld [tilespmem:s26+$0x10];
	[tilespmem:s24+$0x80] =	vst v0  }
0xa1: {  	v0 =	vld [tilespmem:s26+$0x50];
	[tilespmem:s24+$0x100] =	vst v3;
	v2 =	vmul.f32 $8.000000000e+00, v2  }
0xa2: {  	[tilespmem:s24+$0xFFFFFE00] =	vst v4;
	v3 =	vmul.f32 $8.000000000e+00, v7;
	v4 =	vld [tilespmem:s26+$0x90]  }
0xa3: {  	v7 =	vld [tilespmem:s26+$0xFFFFFF10];
	v5 =	vmul.f32 $8.000000000e+00, v5;
	[tilespmem:s24+$0x190] =	vst v2  }
0xa4: {  	[tilespmem:s24+$0xFFFFFE90] =	vst v3;
	v1 =	vmul.f32 $8.000000000e+00, v1;
	v2 =	vld [tilespmem:s26+$0xE0]  }
0xa5: {  	v3 =	vld [tilespmem:s26+$0xFFFFFF60];
	[tilespmem:s24+$0xFFFFFF10] =	vst v5;
	v5 =	vmul.f32 $8.000000000e+00, v6  }
0xa6: {  	v6 =	vld [tilespmem:s26+$0xFFFFFFA0];
	[tilespmem:s24+$0xFFFFFF90] =	vst v1;
	v0 =	vmul.f32 $8.000000000e+00, v0  }
0xa7: {  	v1 =	vld [tilespmem:s26+$0xFFFFFFE0];
	[tilespmem:s24+$0x10] =	vst v5;
	v4 =	vmul.f32 $8.000000000e+00, v4  }
0xa8: {  	v5 =	vmul.f32 $8.000000000e+00, v7;
	v7 =	vld [tilespmem:s26+$0x20];
	[tilespmem:s24+$0x90] =	vst v0  }
0xa9: {  	v0 =	vld [tilespmem:s26+$0x60];
	[tilespmem:s24+$0x110] =	vst v4;
	v2 =	vmul.f32 $8.000000000e+00, v2  }
0xaa: {  	[tilespmem:s24+$0xFFFFFE10] =	vst v5;
	v3 =	vmul.f32 $8.000000000e+00, v3;
	v4 =	vld [tilespmem:s26+$0xA0]  }
0xab: {  	v5 =	vld [tilespmem:s26+$0xFFFFFF20];
	v6 =	vmul.f32 $8.000000000e+00, v6;
	[tilespmem:s24+$0x1A0] =	vst v2  }
0xac: {  	[tilespmem:s24+$0xFFFFFEA0] =	vst v3;
	v1 =	vmul.f32 $8.000000000e+00, v1;
	v3 =	vld [tilespmem:s26+$0xF0]  }
0xad: {  	v8 =	vld [tilespmem:s26+$0xFFFFFF70];
	[tilespmem:s24+$0xFFFFFF20] =	vst v6;
	v2 =	vmul.f32 $8.000000000e+00, v7  }
0xae: {  	v7 =	vld [tilespmem:s26+$0xFFFFFFB0];
	[tilespmem:s24+$0xFFFFFFA0] =	vst v1;
	v1 =	vmul.f32 $8.000000000e+00, v0  }
.Ltmp1:
0xaf: {  	v0 =	vld [tilespmem:s26+$0xFFFFFFF0];
	[tilespmem:s24+$0x20] =	vst v2;
	v4 =	vmul.f32 $8.000000000e+00, v4;
	(pc) =	sbr.rel @p0 .LBB2_5-.Ltmp1, $4  }
0xb0: {  	v5 =	vmul.f32 $8.000000000e+00, v5;
	v2 =	vld [tilespmem:s26+$0x30];
	[tilespmem:s24+$0xA0] =	vst v1  }
0xb1: {  	v1 =	vld [tilespmem:s26+$0x70];
	[tilespmem:s24+$0x120] =	vst v4;
	v9 =	vmul.f32 $8.000000000e+00, v3  }
0xb2: {  	[tilespmem:s24+$0xFFFFFE20] =	vst v5;
	v6 =	vmul.f32 $8.000000000e+00, v8;
	v3 =	vld [tilespmem:s26+$0xB0]  }
0xb3: {  	v4 =	vld [tilespmem:s26+$0xFFFFFF30];
	v5 =	vmul.f32 $8.000000000e+00, v7;
	[tilespmem:s24+$0x1B0] =	vst v9;
	s26 =	sadd.s32 $0x200, s26  }
0xb4: {  	[tilespmem:s24+$0xFFFFFEB0] =	vst v6;
	v0 =	vmul.f32 $8.000000000e+00, v0  }
0xb5: {  	[tilespmem:s24+$0xFFFFFF30] =	vst v5;
	v2 =	vmul.f32 $8.000000000e+00, v2  }
0xb6: {  	[tilespmem:s24+$0xFFFFFFB0] =	vst v0;
	v61 =	vmul.f32 $8.000000000e+00, v1  }
0xb7: {  	[tilespmem:s24+$0x30] =	vst v2;
	v62 =	vmul.f32 $8.000000000e+00, v3  }
0xb8: {  	s23 =	sshll.u32 s23, $0x4;
	s22 =	sadd.s32 $0x1, s22;
	v63 =	vmul.f32 $8.000000000e+00, v4;
	[tilespmem:s24+$0xB0] =	vst v61  }
0xb9: {  	s23 =	sand.u32 $0x1FFFFF00, s23;
	p0 =	sne.s32 s22, $0x1F;
	[tilespmem:s24+$0x130] =	vst v62  }
.Ltmp2:
0xba: {  	s23 =	sadd.s32 s6, s23;
	[tilespmem:s24+$0xFFFFFE30] =	vst v63;
	(pc) =	sbr.rel @p0 .LBB2_2-.Ltmp2, $4  }
0xbb: {  	[hbm4b:s23+s3] =	stream.linear.scatter [tilespmem:s19], [sflag:$0x3], $0xC800, $0x38;
	[tilespmem:$0x19320] =	vst v63  }
0xbc: {  	_ =	swait.ge [sflag:s14], $0xC800  }
0xbd: {  	[sflag:s14] =	ssyncset.done $0x0  }
0xbe: {  	[sflag:s14] =	ssyncadd.s32 $0xFFFF3800  }
0xbf: {  	[tilespmem:s15], [sflag:$0x3] =	stream.linear.gather [hbm4b:s10+s3], $0x190, $0x38;
	[tilespmem:$0x19320] =	vst v63  }
0xc0: {  	_ =	swait.ge [sflag:s14], $0x190  }
0xc1: {  	[sflag:s14] =	ssyncset.done $0x0  }
0xc2: {  	[sflag:s14] =	ssyncadd.s32 $0xFFFFFE70  }
0xc3: {  	[tilespmem:s17], [sflag:$0x2] =	stream.indirect.gather [hbm4b:s5+s15], $0x40, s15, s15, $0xb8;
	[tilespmem:$0x19320] =	vst v63  }
0xc4: {  	_ =	swait.ge [sflag:s18], $0x6400  }
0xc5: {  	[sflag:s18] =	ssyncset.done $0x0  }
0xc6: {  	s24 =	simm.s32 $0x420;
	[sflag:s18] =	ssyncadd.s32 $0xFFFF9C00  }
0xc7: {  	v0 =	vld [tilespmem:s24+$0xC0]  }
0xc8: {  	v1 =	vld [tilespmem:s24+$0xFFFFFF40]  }
0xc9: {  	v2 =	vld [tilespmem:s24+$0xFFFFFF80]  }
0xca: {  	v3 =	vld [tilespmem:s24+$0xFFFFFFC0]  }
0xcb: {  	v4 =	vld [tilespmem:s24+$0x0]  }
0xcc: {  	v5 =	vld [tilespmem:s24+$0x40];
	v0 =	vmul.f32 $8.000000000e+00, v0  }
0xcd: {  	s22 =	simm.s32 $0xCD20;
	v6 =	vld [tilespmem:s24+$0x80];
	v1 =	vmul.f32 $8.000000000e+00, v1  }
0xce: {  	v7 =	vld [tilespmem:s24+$0xFFFFFF00];
	v2 =	vmul.f32 $8.000000000e+00, v2;
	[tilespmem:s22+$0x180] =	vst v0  }
0xcf: {  	[tilespmem:s22+$0xFFFFFE80] =	vst v1;
	v0 =	vmul.f32 $8.000000000e+00, v3;
	v1 =	vld [tilespmem:s24+$0xD0]  }
0xd0: {  	[tilespmem:s22+$0xFFFFFF00] =	vst v2;
	v2 =	vmul.f32 $8.000000000e+00, v4;
	v3 =	vld [tilespmem:s24+$0xFFFFFF50]  }
0xd1: {  	v4 =	vld [tilespmem:s24+$0xFFFFFF90];
	[tilespmem:s22+$0xFFFFFF80] =	vst v0;
	v0 =	vmul.f32 $8.000000000e+00, v5  }
0xd2: {  	[tilespmem:s22+$0x0] =	vst v2;
	v2 =	vmul.f32 $8.000000000e+00, v6;
	v5 =	vld [tilespmem:s24+$0xFFFFFFD0]  }
0xd3: {  	v6 =	vmul.f32 $8.000000000e+00, v7;
	v7 =	vld [tilespmem:s24+$0x10];
	[tilespmem:s22+$0x80] =	vst v0  }
0xd4: {  	[tilespmem:s22+$0x100] =	vst v2;
	v0 =	vld [tilespmem:s24+$0x50];
	v1 =	vmul.f32 $8.000000000e+00, v1  }
0xd5: {  	[tilespmem:s22+$0xFFFFFE00] =	vst v6;
	v2 =	vmul.f32 $8.000000000e+00, v3;
	v3 =	vld [tilespmem:s24+$0x90]  }
0xd6: {  	v6 =	vld [tilespmem:s24+$0xFFFFFF10];
	v4 =	vmul.f32 $8.000000000e+00, v4;
	[tilespmem:s22+$0x190] =	vst v1  }
0xd7: {  	[tilespmem:s22+$0xFFFFFE90] =	vst v2;
	v1 =	vmul.f32 $8.000000000e+00, v5;
	v2 =	vld [tilespmem:s24+$0xE0]  }
0xd8: {  	[tilespmem:s22+$0xFFFFFF10] =	vst v4;
	v4 =	vmul.f32 $8.000000000e+00, v7;
	v5 =	vld [tilespmem:s24+$0xFFFFFF60]  }
0xd9: {  	v7 =	vld [tilespmem:s24+$0xFFFFFFA0];
	[tilespmem:s22+$0xFFFFFF90] =	vst v1;
	v0 =	vmul.f32 $8.000000000e+00, v0  }
0xda: {  	[tilespmem:s22+$0x10] =	vst v4;
	v1 =	vld [tilespmem:s24+$0xFFFFFFE0];
	v3 =	vmul.f32 $8.000000000e+00, v3  }
0xdb: {  	v4 =	vmul.f32 $8.000000000e+00, v6;
	v6 =	vld [tilespmem:s24+$0x20];
	[tilespmem:s22+$0x90] =	vst v0  }
0xdc: {  	v0 =	vld [tilespmem:s24+$0x60];
	[tilespmem:s22+$0x110] =	vst v3;
	v2 =	vmul.f32 $8.000000000e+00, v2  }
0xdd: {  	[tilespmem:s22+$0xFFFFFE10] =	vst v4;
	v3 =	vmul.f32 $8.000000000e+00, v5;
	v4 =	vld [tilespmem:s24+$0xA0]  }
0xde: {  	v5 =	vld [tilespmem:s24+$0xFFFFFF20];
	v7 =	vmul.f32 $8.000000000e+00, v7;
	[tilespmem:s22+$0x1A0] =	vst v2  }
0xdf: {  	[tilespmem:s22+$0xFFFFFEA0] =	vst v3;
	v1 =	vmul.f32 $8.000000000e+00, v1;
	v3 =	vld [tilespmem:s24+$0xF0]  }
0xe0: {  	[tilespmem:s22+$0xFFFFFF20] =	vst v7;
	v2 =	vmul.f32 $8.000000000e+00, v6;
	v8 =	vld [tilespmem:s24+$0xFFFFFF70]  }
0xe1: {  	v7 =	vld [tilespmem:s24+$0xFFFFFFB0];
	[tilespmem:s22+$0xFFFFFFA0] =	vst v1;
	v1 =	vmul.f32 $8.000000000e+00, v0  }
0xe2: {  	[tilespmem:s22+$0x20] =	vst v2;
	v0 =	vld [tilespmem:s24+$0xFFFFFFF0];
	v4 =	vmul.f32 $8.000000000e+00, v4  }
0xe3: {  	v5 =	vmul.f32 $8.000000000e+00, v5;
	v2 =	vld [tilespmem:s24+$0x30];
	[tilespmem:s22+$0xA0] =	vst v1  }
0xe4: {  	v1 =	vld [tilespmem:s24+$0x70];
	[tilespmem:s22+$0x120] =	vst v4;
	v9 =	vmul.f32 $8.000000000e+00, v3  }
0xe5: {  	[tilespmem:s22+$0xFFFFFE20] =	vst v5;
	v3 =	vld [tilespmem:s24+$0xB0];
	v6 =	vmul.f32 $8.000000000e+00, v8  }
0xe6: {  	s23 =	simm.s32 $0x0;
	v4 =	vld [tilespmem:s24+$0xFFFFFF30];
	v5 =	vmul.f32 $8.000000000e+00, v7;
	s24 =	simm.s32 $0x620;
	[tilespmem:s22+$0x1B0] =	vst v9  }
.LBB2_8:
0xe7: {  	v7 =	vld [tilespmem:s24+$0xC0];
	s23 =	sadd.s32 $0x8, s23;
	[tilespmem:s22+$0xFFFFFEB0] =	vst v6;
	v0 =	vmul.f32 $8.000000000e+00, v0  }
0xe8: {  	v6 =	vld [tilespmem:s24+$0xFFFFFF40];
	p0 =	slt.u32 s23, $0x188;
	[tilespmem:s22+$0xFFFFFF30] =	vst v5;
	v2 =	vmul.f32 $8.000000000e+00, v2  }
0xe9: {  	v5 =	vld [tilespmem:s24+$0xFFFFFF80];
	[tilespmem:s22+$0xFFFFFFB0] =	vst v0;
	v0 =	vmul.f32 $8.000000000e+00, v1  }
0xea: {  	v1 =	vld [tilespmem:s24+$0xFFFFFFC0];
	[tilespmem:s22+$0x30] =	vst v2;
	v2 =	vmul.f32 $8.000000000e+00, v3  }
0xeb: {  	v3 =	vld [tilespmem:s24+$0x0];
	v4 =	vmul.f32 $8.000000000e+00, v4;
	[tilespmem:s22+$0xB0] =	vst v0  }
0xec: {  	v0 =	vld [tilespmem:s24+$0x40];
	v7 =	vmul.f32 $8.000000000e+00, v7;
	[tilespmem:s22+$0x130] =	vst v2  }
0xed: {  	v2 =	vmul.f32 $8.000000000e+00, v6;
	v6 =	vld [tilespmem:s24+$0x80];
	[tilespmem:s22+$0xFFFFFE30] =	vst v4;
	s22 =	sadd.s32 $0x400, s22  }
0xee: {  	v4 =	vld [tilespmem:s24+$0xFFFFFF00];
	v5 =	vmul.f32 $8.000000000e+00, v5;
	[tilespmem:s22+$0x180] =	vst v7  }
0xef: {  	[tilespmem:s22+$0xFFFFFE80] =	vst v2;
	v1 =	vmul.f32 $8.000000000e+00, v1;
	v2 =	vld [tilespmem:s24+$0xD0]  }
0xf0: {  	v7 =	vld [tilespmem:s24+$0xFFFFFF50];
	[tilespmem:s22+$0xFFFFFF00] =	vst v5;
	v3 =	vmul.f32 $8.000000000e+00, v3  }
0xf1: {  	v5 =	vld [tilespmem:s24+$0xFFFFFF90];
	[tilespmem:s22+$0xFFFFFF80] =	vst v1;
	v0 =	vmul.f32 $8.000000000e+00, v0  }
0xf2: {  	v1 =	vld [tilespmem:s24+$0xFFFFFFD0];
	[tilespmem:s22+$0x0] =	vst v3;
	v3 =	vmul.f32 $8.000000000e+00, v6  }
0xf3: {  	v4 =	vmul.f32 $8.000000000e+00, v4;
	v6 =	vld [tilespmem:s24+$0x10];
	[tilespmem:s22+$0x80] =	vst v0  }
0xf4: {  	v0 =	vld [tilespmem:s24+$0x50];
	[tilespmem:s22+$0x100] =	vst v3;
	v2 =	vmul.f32 $8.000000000e+00, v2  }
0xf5: {  	[tilespmem:s22+$0xFFFFFE00] =	vst v4;
	v3 =	vmul.f32 $8.000000000e+00, v7;
	v4 =	vld [tilespmem:s24+$0x90]  }
0xf6: {  	v7 =	vld [tilespmem:s24+$0xFFFFFF10];
	v5 =	vmul.f32 $8.000000000e+00, v5;
	[tilespmem:s22+$0x190] =	vst v2  }
0xf7: {  	[tilespmem:s22+$0xFFFFFE90] =	vst v3;
	v1 =	vmul.f32 $8.000000000e+00, v1;
	v2 =	vld [tilespmem:s24+$0xE0]  }
0xf8: {  	v3 =	vld [tilespmem:s24+$0xFFFFFF60];
	[tilespmem:s22+$0xFFFFFF10] =	vst v5;
	v5 =	vmul.f32 $8.000000000e+00, v6  }
0xf9: {  	v6 =	vld [tilespmem:s24+$0xFFFFFFA0];
	[tilespmem:s22+$0xFFFFFF90] =	vst v1;
	v0 =	vmul.f32 $8.000000000e+00, v0  }
0xfa: {  	v1 =	vld [tilespmem:s24+$0xFFFFFFE0];
	[tilespmem:s22+$0x10] =	vst v5;
	v4 =	vmul.f32 $8.000000000e+00, v4  }
0xfb: {  	v5 =	vmul.f32 $8.000000000e+00, v7;
	v7 =	vld [tilespmem:s24+$0x20];
	[tilespmem:s22+$0x90] =	vst v0  }
0xfc: {  	v0 =	vld [tilespmem:s24+$0x60];
	[tilespmem:s22+$0x110] =	vst v4;
	v2 =	vmul.f32 $8.000000000e+00, v2  }
0xfd: {  	[tilespmem:s22+$0xFFFFFE10] =	vst v5;
	v3 =	vmul.f32 $8.000000000e+00, v3;
	v4 =	vld [tilespmem:s24+$0xA0]  }
0xfe: {  	v5 =	vld [tilespmem:s24+$0xFFFFFF20];
	v6 =	vmul.f32 $8.000000000e+00, v6;
	[tilespmem:s22+$0x1A0] =	vst v2  }
0xff: {  	[tilespmem:s22+$0xFFFFFEA0] =	vst v3;
	v1 =	vmul.f32 $8.000000000e+00, v1;
	v3 =	vld [tilespmem:s24+$0xF0]  }
0x100: {  	v8 =	vld [tilespmem:s24+$0xFFFFFF70];
	[tilespmem:s22+$0xFFFFFF20] =	vst v6;
	v2 =	vmul.f32 $8.000000000e+00, v7  }
0x101: {  	v7 =	vld [tilespmem:s24+$0xFFFFFFB0];
	[tilespmem:s22+$0xFFFFFFA0] =	vst v1;
	v1 =	vmul.f32 $8.000000000e+00, v0  }
.Ltmp3:
0x102: {  	v0 =	vld [tilespmem:s24+$0xFFFFFFF0];
	[tilespmem:s22+$0x20] =	vst v2;
	v4 =	vmul.f32 $8.000000000e+00, v4;
	(pc) =	sbr.rel @p0 .LBB2_8-.Ltmp3, $4  }
0x103: {  	v5 =	vmul.f32 $8.000000000e+00, v5;
	v2 =	vld [tilespmem:s24+$0x30];
	[tilespmem:s22+$0xA0] =	vst v1  }
0x104: {  	v1 =	vld [tilespmem:s24+$0x70];
	[tilespmem:s22+$0x120] =	vst v4;
	v9 =	vmul.f32 $8.000000000e+00, v3  }
0x105: {  	[tilespmem:s22+$0xFFFFFE20] =	vst v5;
	v6 =	vmul.f32 $8.000000000e+00, v8;
	v3 =	vld [tilespmem:s24+$0xB0]  }
0x106: {  	v4 =	vld [tilespmem:s24+$0xFFFFFF30];
	v5 =	vmul.f32 $8.000000000e+00, v7;
	[tilespmem:s22+$0x1B0] =	vst v9;
	s24 =	sadd.s32 $0x200, s24  }
0x107: {  	[tilespmem:s22+$0xFFFFFEB0] =	vst v6;
	v0 =	vmul.f32 $8.000000000e+00, v0  }
0x108: {  	[tilespmem:s22+$0xFFFFFF30] =	vst v5;
	v2 =	vmul.f32 $8.000000000e+00, v2  }
0x109: {  	[tilespmem:s22+$0xFFFFFFB0] =	vst v0;
	v0 =	vmul.f32 $8.000000000e+00, v1  }
0x10a: {  	[tilespmem:s22+$0x30] =	vst v2;
	v1 =	vmul.f32 $8.000000000e+00, v3  }
0x10b: {  	v2 =	vmul.f32 $8.000000000e+00, v4;
	[tilespmem:s22+$0xB0] =	vst v0  }
0x10c: {  	[tilespmem:s22+$0x130] =	vst v1  }
0x10d: {  	[tilespmem:s22+$0xFFFFFE30] =	vst v2  }
0x10e: {  	[hbm4b:s11+s3] =	stream.linear.scatter [tilespmem:s19], [sflag:$0x3], $0xC800, $0x38;
	[tilespmem:$0x19320] =	vst v63  }
0x10f: {  	_ =	swait.ge [sflag:s14], $0xC800  }
0x110: {  	[sflag:s14] =	ssyncset.done $0x0  }
0x111: {  	[sflag:s14] =	ssyncadd.s32 $0xFFFF3800  }
0x112: {  	_ =	swait.ge [sflag:s20], $0x6400  }
0x113: {  	[sflag:s20] =	ssyncset.done $0x0  }
0x114: {  	s24 =	simm.s32 $0x6820;
	[sflag:s20] =	ssyncadd.s32 $0xFFFF9C00  }
0x115: {  	v0 =	vld [tilespmem:s24+$0xC0]  }
0x116: {  	v1 =	vld [tilespmem:s24+$0xFFFFFF40]  }
0x117: {  	v2 =	vld [tilespmem:s24+$0xFFFFFF80]  }
0x118: {  	v3 =	vld [tilespmem:s24+$0xFFFFFFC0]  }
0x119: {  	v4 =	vld [tilespmem:s24+$0x0]  }
0x11a: {  	v5 =	vld [tilespmem:s24+$0x40];
	v0 =	vmul.f32 $8.000000000e+00, v0  }
0x11b: {  	s22 =	simm.s32 $0xCD20;
	v6 =	vld [tilespmem:s24+$0x80];
	v1 =	vmul.f32 $8.000000000e+00, v1  }
0x11c: {  	v7 =	vld [tilespmem:s24+$0xFFFFFF00];
	v2 =	vmul.f32 $8.000000000e+00, v2;
	[tilespmem:s22+$0x180] =	vst v0  }
0x11d: {  	[tilespmem:s22+$0xFFFFFE80] =	vst v1;
	v0 =	vmul.f32 $8.000000000e+00, v3;
	v1 =	vld [tilespmem:s24+$0xD0]  }
0x11e: {  	[tilespmem:s22+$0xFFFFFF00] =	vst v2;
	v2 =	vmul.f32 $8.000000000e+00, v4;
	v3 =	vld [tilespmem:s24+$0xFFFFFF50]  }
0x11f: {  	v4 =	vld [tilespmem:s24+$0xFFFFFF90];
	[tilespmem:s22+$0xFFFFFF80] =	vst v0;
	v0 =	vmul.f32 $8.000000000e+00, v5  }
0x120: {  	[tilespmem:s22+$0x0] =	vst v2;
	v2 =	vmul.f32 $8.000000000e+00, v6;
	v5 =	vld [tilespmem:s24+$0xFFFFFFD0]  }
0x121: {  	v6 =	vmul.f32 $8.000000000e+00, v7;
	v7 =	vld [tilespmem:s24+$0x10];
	[tilespmem:s22+$0x80] =	vst v0  }
0x122: {  	[tilespmem:s22+$0x100] =	vst v2;
	v0 =	vld [tilespmem:s24+$0x50];
	v1 =	vmul.f32 $8.000000000e+00, v1  }
0x123: {  	[tilespmem:s22+$0xFFFFFE00] =	vst v6;
	v2 =	vmul.f32 $8.000000000e+00, v3;
	v3 =	vld [tilespmem:s24+$0x90]  }
0x124: {  	v6 =	vld [tilespmem:s24+$0xFFFFFF10];
	v4 =	vmul.f32 $8.000000000e+00, v4;
	[tilespmem:s22+$0x190] =	vst v1  }
0x125: {  	[tilespmem:s22+$0xFFFFFE90] =	vst v2;
	v1 =	vmul.f32 $8.000000000e+00, v5;
	v2 =	vld [tilespmem:s24+$0xE0]  }
0x126: {  	[tilespmem:s22+$0xFFFFFF10] =	vst v4;
	v4 =	vmul.f32 $8.000000000e+00, v7;
	v5 =	vld [tilespmem:s24+$0xFFFFFF60]  }
0x127: {  	v7 =	vld [tilespmem:s24+$0xFFFFFFA0];
	[tilespmem:s22+$0xFFFFFF90] =	vst v1;
	v0 =	vmul.f32 $8.000000000e+00, v0  }
0x128: {  	[tilespmem:s22+$0x10] =	vst v4;
	v1 =	vld [tilespmem:s24+$0xFFFFFFE0];
	v3 =	vmul.f32 $8.000000000e+00, v3  }
0x129: {  	v4 =	vmul.f32 $8.000000000e+00, v6;
	v6 =	vld [tilespmem:s24+$0x20];
	[tilespmem:s22+$0x90] =	vst v0  }
0x12a: {  	v0 =	vld [tilespmem:s24+$0x60];
	[tilespmem:s22+$0x110] =	vst v3;
	v2 =	vmul.f32 $8.000000000e+00, v2  }
0x12b: {  	[tilespmem:s22+$0xFFFFFE10] =	vst v4;
	v3 =	vmul.f32 $8.000000000e+00, v5;
	v4 =	vld [tilespmem:s24+$0xA0]  }
0x12c: {  	v5 =	vld [tilespmem:s24+$0xFFFFFF20];
	v7 =	vmul.f32 $8.000000000e+00, v7;
	[tilespmem:s22+$0x1A0] =	vst v2  }
0x12d: {  	[tilespmem:s22+$0xFFFFFEA0] =	vst v3;
	v1 =	vmul.f32 $8.000000000e+00, v1;
	v3 =	vld [tilespmem:s24+$0xF0]  }
0x12e: {  	[tilespmem:s22+$0xFFFFFF20] =	vst v7;
	v2 =	vmul.f32 $8.000000000e+00, v6;
	v8 =	vld [tilespmem:s24+$0xFFFFFF70]  }
0x12f: {  	v7 =	vld [tilespmem:s24+$0xFFFFFFB0];
	[tilespmem:s22+$0xFFFFFFA0] =	vst v1;
	v1 =	vmul.f32 $8.000000000e+00, v0  }
0x130: {  	[tilespmem:s22+$0x20] =	vst v2;
	v0 =	vld [tilespmem:s24+$0xFFFFFFF0];
	v4 =	vmul.f32 $8.000000000e+00, v4  }
0x131: {  	v5 =	vmul.f32 $8.000000000e+00, v5;
	v2 =	vld [tilespmem:s24+$0x30];
	[tilespmem:s22+$0xA0] =	vst v1  }
0x132: {  	v1 =	vld [tilespmem:s24+$0x70];
	[tilespmem:s22+$0x120] =	vst v4;
	v9 =	vmul.f32 $8.000000000e+00, v3  }
0x133: {  	[tilespmem:s22+$0xFFFFFE20] =	vst v5;
	v3 =	vld [tilespmem:s24+$0xB0];
	v6 =	vmul.f32 $8.000000000e+00, v8  }
0x134: {  	s23 =	simm.s32 $0x0;
	v4 =	vld [tilespmem:s24+$0xFFFFFF30];
	v5 =	vmul.f32 $8.000000000e+00, v7;
	s24 =	simm.s32 $0x6A20;
	[tilespmem:s22+$0x1B0] =	vst v9  }
.LBB2_10:
0x135: {  	v7 =	vld [tilespmem:s24+$0xC0];
	s23 =	sadd.s32 $0x8, s23;
	[tilespmem:s22+$0xFFFFFEB0] =	vst v6;
	v0 =	vmul.f32 $8.000000000e+00, v0  }
0x136: {  	v6 =	vld [tilespmem:s24+$0xFFFFFF40];
	p0 =	slt.u32 s23, $0x188;
	[tilespmem:s22+$0xFFFFFF30] =	vst v5;
	v2 =	vmul.f32 $8.000000000e+00, v2  }
0x137: {  	v5 =	vld [tilespmem:s24+$0xFFFFFF80];
	[tilespmem:s22+$0xFFFFFFB0] =	vst v0;
	v0 =	vmul.f32 $8.000000000e+00, v1  }
0x138: {  	v1 =	vld [tilespmem:s24+$0xFFFFFFC0];
	[tilespmem:s22+$0x30] =	vst v2;
	v2 =	vmul.f32 $8.000000000e+00, v3  }
0x139: {  	v3 =	vld [tilespmem:s24+$0x0];
	v4 =	vmul.f32 $8.000000000e+00, v4;
	[tilespmem:s22+$0xB0] =	vst v0  }
0x13a: {  	v0 =	vld [tilespmem:s24+$0x40];
	v7 =	vmul.f32 $8.000000000e+00, v7;
	[tilespmem:s22+$0x130] =	vst v2  }
0x13b: {  	v2 =	vmul.f32 $8.000000000e+00, v6;
	v6 =	vld [tilespmem:s24+$0x80];
	[tilespmem:s22+$0xFFFFFE30] =	vst v4;
	s22 =	sadd.s32 $0x400, s22  }
0x13c: {  	v4 =	vld [tilespmem:s24+$0xFFFFFF00];
	v5 =	vmul.f32 $8.000000000e+00, v5;
	[tilespmem:s22+$0x180] =	vst v7  }
0x13d: {  	[tilespmem:s22+$0xFFFFFE80] =	vst v2;
	v1 =	vmul.f32 $8.000000000e+00, v1;
	v2 =	vld [tilespmem:s24+$0xD0]  }
0x13e: {  	v7 =	vld [tilespmem:s24+$0xFFFFFF50];
	[tilespmem:s22+$0xFFFFFF00] =	vst v5;
	v3 =	vmul.f32 $8.000000000e+00, v3  }
0x13f: {  	v5 =	vld [tilespmem:s24+$0xFFFFFF90];
	[tilespmem:s22+$0xFFFFFF80] =	vst v1;
	v0 =	vmul.f32 $8.000000000e+00, v0  }
0x140: {  	v1 =	vld [tilespmem:s24+$0xFFFFFFD0];
	[tilespmem:s22+$0x0] =	vst v3;
	v3 =	vmul.f32 $8.000000000e+00, v6  }
0x141: {  	v4 =	vmul.f32 $8.000000000e+00, v4;
	v6 =	vld [tilespmem:s24+$0x10];
	[tilespmem:s22+$0x80] =	vst v0  }
0x142: {  	v0 =	vld [tilespmem:s24+$0x50];
	[tilespmem:s22+$0x100] =	vst v3;
	v2 =	vmul.f32 $8.000000000e+00, v2  }
0x143: {  	[tilespmem:s22+$0xFFFFFE00] =	vst v4;
	v3 =	vmul.f32 $8.000000000e+00, v7;
	v4 =	vld [tilespmem:s24+$0x90]  }
0x144: {  	v7 =	vld [tilespmem:s24+$0xFFFFFF10];
	v5 =	vmul.f32 $8.000000000e+00, v5;
	[tilespmem:s22+$0x190] =	vst v2  }
0x145: {  	[tilespmem:s22+$0xFFFFFE90] =	vst v3;
	v1 =	vmul.f32 $8.000000000e+00, v1;
	v2 =	vld [tilespmem:s24+$0xE0]  }
0x146: {  	v3 =	vld [tilespmem:s24+$0xFFFFFF60];
	[tilespmem:s22+$0xFFFFFF10] =	vst v5;
	v5 =	vmul.f32 $8.000000000e+00, v6  }
0x147: {  	v6 =	vld [tilespmem:s24+$0xFFFFFFA0];
	[tilespmem:s22+$0xFFFFFF90] =	vst v1;
	v0 =	vmul.f32 $8.000000000e+00, v0  }
0x148: {  	v1 =	vld [tilespmem:s24+$0xFFFFFFE0];
	[tilespmem:s22+$0x10] =	vst v5;
	v4 =	vmul.f32 $8.000000000e+00, v4  }
0x149: {  	v5 =	vmul.f32 $8.000000000e+00, v7;
	v7 =	vld [tilespmem:s24+$0x20];
	[tilespmem:s22+$0x90] =	vst v0  }
0x14a: {  	v0 =	vld [tilespmem:s24+$0x60];
	[tilespmem:s22+$0x110] =	vst v4;
	v2 =	vmul.f32 $8.000000000e+00, v2  }
0x14b: {  	[tilespmem:s22+$0xFFFFFE10] =	vst v5;
	v3 =	vmul.f32 $8.000000000e+00, v3;
	v4 =	vld [tilespmem:s24+$0xA0]  }
0x14c: {  	v5 =	vld [tilespmem:s24+$0xFFFFFF20];
	v6 =	vmul.f32 $8.000000000e+00, v6;
	[tilespmem:s22+$0x1A0] =	vst v2  }
0x14d: {  	[tilespmem:s22+$0xFFFFFEA0] =	vst v3;
	v1 =	vmul.f32 $8.000000000e+00, v1;
	v3 =	vld [tilespmem:s24+$0xF0]  }
0x14e: {  	v8 =	vld [tilespmem:s24+$0xFFFFFF70];
	[tilespmem:s22+$0xFFFFFF20] =	vst v6;
	v2 =	vmul.f32 $8.000000000e+00, v7  }
0x14f: {  	v7 =	vld [tilespmem:s24+$0xFFFFFFB0];
	[tilespmem:s22+$0xFFFFFFA0] =	vst v1;
	v1 =	vmul.f32 $8.000000000e+00, v0  }
.Ltmp4:
0x150: {  	v0 =	vld [tilespmem:s24+$0xFFFFFFF0];
	[tilespmem:s22+$0x20] =	vst v2;
	v4 =	vmul.f32 $8.000000000e+00, v4;
	(pc) =	sbr.rel @p0 .LBB2_10-.Ltmp4, $4  }
0x151: {  	v5 =	vmul.f32 $8.000000000e+00, v5;
	v2 =	vld [tilespmem:s24+$0x30];
	[tilespmem:s22+$0xA0] =	vst v1  }
0x152: {  	v1 =	vld [tilespmem:s24+$0x70];
	[tilespmem:s22+$0x120] =	vst v4;
	v9 =	vmul.f32 $8.000000000e+00, v3  }
0x153: {  	[tilespmem:s22+$0xFFFFFE20] =	vst v5;
	v6 =	vmul.f32 $8.000000000e+00, v8;
	v3 =	vld [tilespmem:s24+$0xB0]  }
0x154: {  	v4 =	vld [tilespmem:s24+$0xFFFFFF30];
	v5 =	vmul.f32 $8.000000000e+00, v7;
	[tilespmem:s22+$0x1B0] =	vst v9;
	s24 =	sadd.s32 $0x200, s24  }
0x155: {  	[tilespmem:s22+$0xFFFFFEB0] =	vst v6;
	v0 =	vmul.f32 $8.000000000e+00, v0  }
0x156: {  	[tilespmem:s22+$0xFFFFFF30] =	vst v5;
	v2 =	vmul.f32 $8.000000000e+00, v2  }
0x157: {  	[tilespmem:s22+$0xFFFFFFB0] =	vst v0;
	v61 =	vmul.f32 $8.000000000e+00, v1  }
0x158: {  	[tilespmem:s22+$0x30] =	vst v2;
	v62 =	vmul.f32 $8.000000000e+00, v3  }
0x159: {  	s21 =	sadd.s32 $0x1, s21;
	v63 =	vmul.f32 $8.000000000e+00, v4;
	[tilespmem:s22+$0xB0] =	vst v61  }
0x15a: {  	p0 =	sne.s32 s21, s13;
	[tilespmem:s22+$0x130] =	vst v62  }
.Ltmp5:
0x15b: {  	[tilespmem:s22+$0xFFFFFE30] =	vst v63;
	(pc) =	sbr.rel @p0 .LBB2_1-.Ltmp5, $4  }
0x15c: {  	[hbm4b:s12+s3] =	stream.linear.scatter [tilespmem:s19], [sflag:$0x3], $0xC800, $0x38;
	[tilespmem:$0x19320] =	vst v63  }
0x15d: {  	_ =	swait.ge [sflag:s14], $0xC800  }
0x15e: {  	[sflag:s14] =	ssyncset.done $0x0  }
0x15f: {  	[sflag:s14] =	ssyncadd.s32 $0xFFFF3800  }
0x160: {  	_ =	sfence.sel $0x180000  }
0x161: {  	[bflag:$0x0] =	sbarrier.arrive $0xFFFF  }
0x162: {  	p0 =	sne.s32 s1, $0x0;
	_ =	strace $0x90000047  }
0x163: {  	s0 =	sadd.s32 @!p0 $0x100000, s0;
	[bflag:$0x2] =	sbarrier.arrive $0xFFFF  }
0x164: {  	[sflag:s0] =	ssyncadd.tile.s32 @!p0 $0x1;
	_ =	shalt  }
.Lfunc_end2:
_tile_overlayer_lowered:
.L_overlay_start_2:
0x165: {  	(tag) =	ssettag $0x2  }
0x166: {  	s0 =	rddreg [dreg:$0x0];
	s2 =	stileid.u32  }
0x167: {  	s1 =	rddreg [dreg:$0x1];
	p0 =	sne.s32 s2, $0x0  }
0x168: {  	s3 =	rddreg [dreg:$0x2];
	[bflag:$0x3] =	sbarrier.arrive $0xFFFF;
	s2 =	simm.s32 @!p0 $0x1C03  }
0x169: {  	[timem:s3], [sflag:s2] =	dma.local @!p0 [hbm:s0], s1  }
0x16a: {  	s0 =	simm.s32 @!p0 $0x3  }
0x16b: {  	_ =	swait.ge @!p0 [sflag:s0], s1  }
0x16c: {  	s1 =	ssub.s32 @!p0 $0x0, s1;
	[sflag:s0] =	ssyncset.done @!p0 $0x0  }
0x16d: {  	[sflag:s0] =	ssyncadd.s32 @!p0 s1  }
0x16e: {  	[bflag:$0x3] =	sbarrier.arrive $0xFFFF  }
0x16f: {  	_ =	shalt  }

// kernel: sparse-core-data-format-call.cloned.1.call-start
scs
called_computation_lowered:
.L_overlay_start_0:
0x0: {  	s2 =	sld [smem:$0x3FD9]  }
0x1: {  	s3 =	sld [smem:$0x3FFE];
	_ =	sdelay $0x1  }
0x2: {  	s1 =	srdreg.scid  }
0x3: {  	s0 =	sand.u32 $0x1, s1  }
0x4: {  	s18 =	sshll.u32 s0, $0xA;
	s2 =	sadd.s32 s3, s2  }
0x5: {  	s2 =	sadd.s32 s2, s18  }
0x6: {  	[smem:$0x3FC6] =	sst s2  }
0x7: {  	_ = 	snop  }
0x8: {  	s2 =	sld [smem:$0x3FD0];
	(tm) =	ssettm $0x1  }
0x9: {  	s19 =	sld [smem:$0x3FFB];
	_ =	sdelay $0x3  }
0xa: {  	_ =	strace s19  }
0xb: {  	s3 =	sld [smem:$0x3FFC];
	_ =	sdelay $0x3  }
0xc: {  	_ =	strace s3  }
0xd: {  	s3 =	sld [smem:$0x3FFD];
	_ =	sdelay $0x3  }
0xe: {  	_ =	strace s3  }
0xf: {  	_ =	strace $0x8FFFFFFF  }
0x10: {  	s20 =	sld [smem:$0x3FDB];
	_ =	sdelay $0x1  }
0x11: {  	s4 =	simm.s32 $_scs_section_size  }
0x12: {  	s5 =	simm.s32 $_size__tile_overlayer_lowered;
	s6 =	simm.s32 $_tile_overlayer_lowered  }
0x13: {  	s23 =	simm.s32 $0x1BFF;
	s22 =	sshll.u32 s6, $0x1;
	s3 =	sadd.s32 s4, s20  }
0x14: {  	s7 =	simm.s32 $0x0;
	s21 =	sshll.u32 s5, $0x1;
	s5 =	sadd.s32 s22, s3  }
0x15: {  	[timem:s7], [sflag:s23] =	dma.local [hbm:s5], s21  }
0x16: {  	_ =	swait.ge [sflag:s23], s21  }
0x17: {  	s4 =	ssub.s32 $0x0, s21;
	[sflag:s23] =	ssyncset.done $0x0  }
0x18: {  	[sflag:s23] =	ssyncadd.s32 s4;
	_ =	sdelay $0x1  }
0x19: {  	s24 =	simm.s32 $0x1B8B  }
0x1a: {  	_ =	swait.ge [sflag:s24], $0x1  }
0x1b: {  	[sflag:s24] =	ssyncset.done $0x0  }
0x1c: {  	s26 =	simm.s32 $0x1B8E;
	s25 =	sld [smem:$0x3FFE];
	[sflag:s24] =	ssyncadd.s32 $0xFFFFFFFF  }
0x1d: {  	s27 =	simm.s32 $execute0_lowered;
	[smem:$0x3FD2] =	sst s26  }
0x1e: {  	s5 =	sshll.u32 s27, $0x1;
	_ =	strace $0x80000049;
	[dreg:$0x1] =	wrdreg $0xFFFFFFFF  }
0x1f: {  	s28 =	simm.s32 $_size_execute0_lowered;
	s3 =	sadd.s32 s3, s5;
	[dreg:$0x0] =	wrdreg $0x0  }
0x20: {  	s5 =	sshll.u32 s28, $0x1;
	[dreg:$0x2] =	wrdreg s3  }
0x21: {  	[dreg:$0x3] =	wrdreg s5  }
0x22: {  	[dreg:$0x4] =	wrdreg $0xC0  }
0x23: {  	_ =	task [dreg:s7], $0x5FFFF  }
0x24: {  	[dreg:$0x1] =	wrdreg $0xFFFFFFFF  }
0x25: {  	[dreg:$0x0] =	wrdreg $0x60  }
0x26: {  	[dreg:$0x2] =	wrdreg s25  }
0x27: {  	[dreg:$0x3] =	wrdreg s2  }
0x28: {  	[dreg:$0x4] =	wrdreg $0x9  }
0x29: {  	_ =	task.clear_ibuf [dreg:s7], $0x5FFFF;
	_ =	strace $0x90000049  }
0x2a: {  	s29 =	simm.s32 $0x9;
	_ =	strace $0x8000004B  }
0x2b: {  	_ =	swait.ge [sflag:s29], $0x1  }
0x2c: {  	[sflag:s29] =	ssyncadd.s32 $0xFFFFFFFF  }
0x2d: {  	_ =	strace $0x9000004B  }
0x2e: {  	_ =	sfence  }
0x2f: {  	s30 =	sld [smem:$0x0];
	_ =	sdelay $0x2  }
0x30: {  	s31 =	sshll.u32 s1, $0xD;
	s1 =	sshrl.u32 s1, $0x2  }
0x31: {  	s3 =	sand.u32 $0x4000, s31;
	s1 =	sadd.s32 s1, s30  }
0x32: {  	s0 =	sor.u32 s3, s0;
	s1 =	sshll.u32 s1, $0x11  }
0x33: {  	s0 =	sor.u32 s1, s0  }
0x34: {  	s0 =	sadd.s32 $0x8F2B, s0  }
0x35: {  	[sflag:s0] =	ssyncadd.remote.s32 $0x1  }
0x36: {  	_ =	sfence.sel $0xFFFF  }
0x37: {  	[dreg:$0x0] =	wrdreg $0xFFFFFFFF;
	(pc) =	sbr.abs _section_cstart, $3  }
0x38: {  	[dreg:$0x1] =	wrdreg $0xFFFFFFFF  }
0x39: {  	_ =	task.clear_ibuf [dreg:s7], $0x2FFFF;
	_ =	strace $0x9FFFFFFF  }
0x3a: {  	(tm) =	ssettm $0x7FFFFFFF  }
0x3b: {  	_ =	shalt  }
tec
execute0_lowered:
.L_overlay_start_1:
0x0: {  	(tag) =	ssettag $0x1  }
0x1: {  	s0 =	srdreg.scid  }
0x2: {  	s1 =	sshll.u32 s0, $0x4  }
0x3: {  	s0 =	stileid.u32;
	s1 =	sand.u32 $0x10, s1  }
0x4: {  	s1 =	sor.u32 s0, s1  }
0x5: {  	s6 =	rddreg [dreg:$0x0];
	s4 =	simm.s32 $0x1;
	s2 =	sshll.u32 s1, $0x7  }
0x6: {  	s7 =	simm.s32 $0x2;
	s12 =	simm.s32 $0x0;
	s1 =	ssub.s32 $0x1000, s2  }
0x7: {  	s8 =	simm.s32 $0x8000;
	s13 =	simm.s32 $0x0;
	s3 =	sand.u32 $0xF80, s1  }
0x8: {  	s9 =	simm.s32 $0x0;
	s5 =	sshrl.u32 s1, $0xC;
	p0 =	sne.s32 s3, $0x0  }
.Ltmp0:
0x9: {  	s1 =	rddreg [dreg:$0x2];
	s4 =	simm.s32 @!p0 $0x0;
	(pc) =	sbr.rel .LBB1_1-.Ltmp0, $4  }
0xa: {  	s11 =	simm.s32 $0x0;
	s3 =	rddreg [dreg:$0x1];
	s5 =	sadd.s32 s4, s5  }
0xb: {  	_ =	strace $0x8000004A;
	s4 =	simm.s32 $0x1;
	s5 =	smul.u32 $0xC8, s5  }
0xc: {  	s6 =	sadd.s32 $0xA00, s6;
	s10 =	smov.u32 s2;
	[sflag:s4] =	ssyncpa.u1 $0x0  }
0xd: {  	p0 =	por $0x0, $0x0;
	[sflag:s7] =	ssyncpa.u1 $0x0;
	s7 =	sor.u32 $0x1, s5  }
.LBB1_4:
0xe: {  	s16 =	sshll.u32 s13, $0x3;
	s17 =	sand.u32 $0x78, s13  }
0xf: {  	s30 =	sand.u32 $0x7E00, s13;
	s12 =	sshll.u32 s12, $0xF;
	s16 =	sand.u32 $0xC00, s16  }
0x10: {  	[tilespmem:s15+$0x810 ss:$0x81] =	vst.msk $0xffff, v2;
	s31 =	sand.u32 $0x7, s13;
	s16 =	sor.u32 s17, s16;
	s17 =	sadd.s32 s3, s30  }
0x11: {  	[tilespmem:s15+$0x1020 ss:$0x81] =	vst.msk $0xffff, v0;
	s13 =	sshll.u32 s31, $0x12;
	s12 =	sadd.s32 s12, s17;
	s16 =	sshrl.u32 s16, $0x3  }
0x12: {  	[tilespmem:s15+$0x0 ss:$0x81] =	vst.msk $0xffff, v1;
	s13 =	sor.u32 $0x400, s13;
	s12 =	sadd.s32 s16, s12  }
0x13: {  	[hbm4b:s12+s13] =	stream.strided.scatter [tilespmem:s14], [sflag:$0x2], $0x2000, s8, s13, $0x20;
	[tilespmem:$0x8080] =	vst v63  }
.LBB1_5:
0x14: {  	s14 =	sadd.s32 $0x1, s9  }
0x15: {  	s12 =	sadd.s32 $0x1000, s10;
	s16 =	smov.u32 s10;
	p2 =	sgt.s32 s14, $0xC7  }
0x16: {  	s16 =	smov.u32 @p2 s12  }
0x17: {  	s14 =	simm.s32 @p2 $0x0;
	p2 =	sgt.s32 s16, $0xFFF  }
0x18: {  	s16 =	smov.u32 @p2 s2;
	p2 =	sne.s32 s11, s7  }
.Ltmp1:
0x19: {  	p1 =	slt.u32 s11, $0x2;
	(pc) =	sbr.rel @!p2 .LBB1_6-.Ltmp1, $4  }
0x1a: {  	s15 =	simm.s32 @!p1 $0x2  }
0x1b: {  	s13 =	smov.u32 s10;
	p0 =	por !p0, !p0;
	_ =	swait.ge @!p1 [sflag:s15], $0x2000  }
0x1c: {  	s12 =	smov.u32 s9;
	[sflag:s15] =	ssyncset.done @!p1 $0x0;
	s9 =	smov.u32 s14  }
0x1d: {  	s11 =	sadd.s32 $0x1, s11;
	[sflag:s15] =	ssyncadd.s32 @!p1 $0xFFFFE000;
	s10 =	smov.u32 s16  }
.LBB1_1:
0x1e: {  	p1 =	sge.u32 s11, s5  }
0x1f: {  	s14 =	sand.u32 @!p1 $0x1FFFFFF, s9  }
0x20: {  	s15 =	smulhi.u32 @!p1 $0x147AE15, s14;
	_ =	sdelay $0x1  }
0x21: {  	s15 =	smul.u32 @!p1 $0xC8, s15  }
0x22: {  	s16 =	sxor.u32 @!p1 $0xFFFFFFFF, s11;
	s17 =	smul.u32 @!p1 $0xC80, s10  }
0x23: {  	s31 =	sadd.s32 $0xFFFFFFFF, s11;
	s16 =	sshll.u32 @!p1 s16, $0xD;
	s14 =	ssub.s32 @!p1 s14, s15  }
0x24: {  	s15 =	sand.u32 @!p1 $0x2000, s16;
	s16 =	sadd.s32 @!p1 s6, s17;
	s14 =	sshll.u32 @!p1 s14, $0x4  }
0x25: {  	s17 =	simm.s32 @!p1 $0x6400;
	s14 =	sadd.s32 @!p1 s14, s16;
	s16 =	simm.s32 @!p1 $0x40  }
0x26: {  	[tilespmem:s15], [sflag:$0x1] =	stream.strided.gather @!p1 [hbm4b:s14+s16], $0x2000, s17, s16, $0x38;
	[tilespmem:$0x8080] =	vst v63  }
0x27: {  	p1 =	sge.u32 s31, s5  }
.Ltmp2:
0x28: {  	_ = 	snop;
	(pc) =	sbr.rel @p1 .LBB1_5-.Ltmp2, $1  }
0x29: {  	_ =	sdelay $0x3  }
0x2a: {  	s14 =	simm.s32 $0x1  }
0x2b: {  	_ =	swait.ge [sflag:s4], $0x2000;
	s14 =	simm.s32 @!p0 $0x0  }
0x2c: {  	[sflag:s4] =	ssyncset.done $0x0;
	s15 =	sshll.u32 s14, $0xD  }
0x2d: {  	[sflag:s4] =	ssyncadd.s32 $0xFFFFE000;
	s18 =	sor.u32 $0x20, s15  }
0x2e: {  	s14 =	smul.u32 $0x8100, s14;
	v3 =	vld [tilespmem:s18+$0x10]  }
0x2f: {  	s30 =	sand.u32 $0x1, s11;
	v2 =	vld [tilespmem:s18+$0xFFFFFFF0]  }
0x30: {  	s15 =	smul.u32 $0x8100, s30;
	s14 =	sshrl.u32 s14, $0x2;
	v0 =	vld [tilespmem:s18+$0x0]  }
0x31: {  	v1 =	vld [tilespmem:s18+$0xFFFFFFE0];
	s16 =	sor.u32 $0x4000, s14  }
0x32: {  	s31 =	sshrl.u32 s15, $0x2;
	s15 =	sadd.s32 $0x0, s16  }
0x33: {  	s17 =	simm.s32 $0x4;
	s18 =	sadd.s32 $0x40, s18;
	s14 =	sor.u32 $0x4000, s31;
	[tilespmem:s15+$0x1830 ss:$0x81] =	vst.msk $0xffff, v3  }
.LBB1_3:
0x34: {  	v3 =	vld [tilespmem:s18+$0x10];
	p1 =	sne.s32 s17, $0x1FC;
	[tilespmem:s15+$0x810 ss:$0x81] =	vst.msk $0xffff, v2;
	s19 =	smov.u32 s17;
	s17 =	sadd.s32 $0x4, s17  }
.Ltmp3:
0x35: {  	v2 =	vld [tilespmem:s18+$0xFFFFFFF0];
	[tilespmem:s15+$0x1020 ss:$0x81] =	vst.msk $0xffff, v0;
	(pc) =	sbr.rel @p1 .LBB1_3-.Ltmp3, $4  }
0x36: {  	v0 =	vld [tilespmem:s18+$0x0];
	[tilespmem:s15+$0x0 ss:$0x81] =	vst.msk $0xffff, v1  }
0x37: {  	s15 =	sshra.s32 s19, $0x2;
	v1 =	vld [tilespmem:s18+$0xFFFFFFE0]  }
0x38: {  	s15 =	sadd.s32 s15, s16  }
0x39: {  	s18 =	sadd.s32 $0x40, s18;
	[tilespmem:s15+$0x1830 ss:$0x81] =	vst.msk $0xffff, v3  }
.Ltmp4:
0x3a: {  	_ = 	snop;
	(pc) =	sbr.rel .LBB1_4-.Ltmp4, $1  }
0x3b: {  	_ =	sdelay $0x3  }
.LBB1_6:
0x3c: {  	_ =	sfence.sel $0x180000  }
0x3d: {  	s2 =	simm.s32 $0x1;
	[bflag:$0x0] =	sbarrier.arrive $0xFFFF  }
0x3e: {  	s31 =	simm.s32 $0x2;
	[sflag:s2] =	ssyncpa.u1 $0x1  }
0x3f: {  	[sflag:s31] =	ssyncpa.u1 $0x1  }
0x40: {  	p0 =	sne.s32 s0, $0x0;
	_ =	strace $0x9000004A  }
0x41: {  	s0 =	sadd.s32 @!p0 $0x100000, s1;
	[bflag:$0x2] =	sbarrier.arrive $0xFFFF  }
0x42: {  	[sflag:s0] =	ssyncadd.tile.s32 @!p0 $0x1;
	_ =	shalt  }
.Lfunc_end1:
_tile_overlayer_lowered:
.L_overlay_start_2:
0x43: {  	(tag) =	ssettag $0x2  }
0x44: {  	s0 =	rddreg [dreg:$0x0];
	s2 =	stileid.u32  }
0x45: {  	s1 =	rddreg [dreg:$0x1];
	p0 =	sne.s32 s2, $0x0  }
0x46: {  	s3 =	rddreg [dreg:$0x2];
	[bflag:$0x3] =	sbarrier.arrive $0xFFFF;
	s2 =	simm.s32 @!p0 $0x1C01  }
0x47: {  	[timem:s3], [sflag:s2] =	dma.local @!p0 [hbm:s0], s1  }
0x48: {  	s0 =	simm.s32 @!p0 $0x1  }
0x49: {  	_ =	swait.ge @!p0 [sflag:s0], s1  }
0x4a: {  	s1 =	ssub.s32 @!p0 $0x0, s1;
	[sflag:s0] =	ssyncset.done @!p0 $0x0  }
0x4b: {  	[sflag:s0] =	ssyncadd.s32 @!p0 s1  }
0x4c: {  	[bflag:$0x3] =	sbarrier.arrive $0xFFFF  }
0x4d: {  	_ =	shalt  }

</sc_bundles>
